<compile_context>
chip_gen: v7x
topology: tpu7x:2x2x1
jax: 0.10.2.dev20260603
libtpu: 0.0.44.dev20260713+nightly
codegen_flags: <defaults>
</compile_context>

<pallas_src>
import functools
import jax
import jax.numpy as jnp
from jax import lax
from jax.experimental import pallas as pl
from jax.experimental.pallas import tpu as pltpu
from jax.experimental.pallas import tpu_sc as plsc

CUTOFF = 6.0
_TN = 128
_PALIGN = 256


def _dense_body(n_atoms, pn, rt, zij, nij, w1, b1, w2, b2, cv, df, nadj):
    f32 = jnp.float32
    b = pl.program_id(0)
    i = pl.program_id(1)
    G, M = rt.shape[2], 64

    def seg_sum(arr):
        s0 = jnp.sum(arr[:, :M], axis=1)
        s1 = jnp.sum(arr[:, M:], axis=1)
        return jnp.stack([s0, s1], axis=1)

    x = rt[0, 0]
    y = rt[0, 1]
    z = rt[0, 2]
    r2 = x * x + y * y + z * z
    tiny = r2 > 1e-12
    safe = jnp.where(tiny, r2, 1.0)
    r = jnp.sqrt(safe)
    mask = jnp.where(tiny & (r < CUTOFF), f32(1.0), f32(0.0))
    inv_r = mask / r
    inv_r2 = mask / safe
    nb = (zij[0] > 0).astype(f32)
    q0 = inv_r * nb
    q1 = x * inv_r2 * nb
    q2 = y * inv_r2 * nb
    q3 = z * inv_r2 * nb
    w1c = [w1[k][:, None] for k in range(4)]
    a3 = (q0[:, None, :] * w1c[0] + q1[:, None, :] * w1c[1]
          + q2[:, None, :] * w1c[2] + q3[:, None, :] * w1c[3]
          + b1[0][:, None])
    h3 = jnp.tanh(a3)
    w2c = w2[0][:, None]
    atom = (i * (2 * G) + 2 * lax.broadcasted_iota(jnp.int32, (G, 2), 0)
            + lax.broadcasted_iota(jnp.int32, (G, 2), 1))
    valid = (atom < n_atoms).astype(f32)
    ei_pair = jnp.sum(h3 * w2c, axis=1) * nb
    ei = (seg_sum(ei_pair) + b2[0, 0]) * valid
    g3 = (1.0 - h3 * h3) * w2c
    u0 = jnp.sum(g3 * w1c[0], axis=1) * nb
    u1 = jnp.sum(g3 * w1c[1], axis=1) * nb
    u2 = jnp.sum(g3 * w1c[2], axis=1) * nb
    u3 = jnp.sum(g3 * w1c[3], axis=1) * nb
    inv_r3 = inv_r * inv_r2
    inv_r4 = inv_r2 * inv_r2
    s = u1 * x + u2 * y + u3 * z
    t0 = u0 * inv_r3 + 2.0 * s * inv_r4
    fx = t0 * x - u1 * inv_r2
    fy = t0 * y - u2 * inv_r2
    fz = t0 * z - u3 * inv_r2
    df[0, 0] = fx
    df[0, 1] = fy
    df[0, 2] = fz
    bl = lax.rem(b, 2)
    nij0 = nij[0]
    for c in range(3):
        nadj[0, c] = nij0 + (bl * 3 + c) * pn
    zero = jnp.zeros((G, 2), f32)
    cv[0, 0] = seg_sum(fx)
    cv[0, 1] = seg_sum(fy)
    cv[0, 2] = seg_sum(fz)
    cv[0, 3] = seg_sum(x * fx)
    cv[0, 4] = seg_sum(x * fy)
    cv[0, 5] = seg_sum(x * fz)
    cv[0, 6] = seg_sum(y * fx)
    cv[0, 7] = seg_sum(y * fy)
    cv[0, 8] = seg_sum(y * fz)
    cv[0, 9] = seg_sum(z * fx)
    cv[0, 10] = seg_sum(z * fy)
    cv[0, 11] = seg_sum(z * fz)
    cv[0, 12] = ei
    cv[0, 13] = zero
    cv[0, 14] = zero
    cv[0, 15] = zero


def _dense(rtf, zijf, nijf, w1, b1, w2, b2, n_atoms, PN):
    B, _, GT, _ = rtf.shape
    G = _TN * 64 // 128
    nblk = GT // G
    return pl.pallas_call(
        functools.partial(_dense_body, n_atoms, PN),
        grid=(B, nblk),
        in_specs=[
            pl.BlockSpec((1, 3, G, 128), lambda b, i: (b, 0, i, 0)),
            pl.BlockSpec((1, G, 128), lambda b, i: (b, i, 0)),
            pl.BlockSpec((1, G, 128), lambda b, i: (b, i, 0)),
            pl.BlockSpec((4, 32), lambda b, i: (0, 0)),
            pl.BlockSpec((1, 32), lambda b, i: (0, 0)),
            pl.BlockSpec((1, 32), lambda b, i: (0, 0)),
            pl.BlockSpec((1, 1), lambda b, i: (0, 0)),
        ],
        out_specs=[
            pl.BlockSpec((1, 16, G, 2), lambda b, i: (b, 0, i, 0)),
            pl.BlockSpec((1, 3, G, 128), lambda b, i: (b, 0, i, 0)),
            pl.BlockSpec((1, 3, G, 128), lambda b, i: (b, 0, i, 0)),
        ],
        out_shape=[
            jax.ShapeDtypeStruct((B, 16, GT, 2), jnp.float32),
            jax.ShapeDtypeStruct((B, 3, GT, 128), jnp.float32),
            jax.ShapeDtypeStruct((B, 3, GT, 128), jnp.int32),
        ],
    )(rtf, zijf, nijf, w1, b1, w2, b2)


def _combine_body(cv, p, force, sums):
    for c in range(3):
        force[0, c] = cv[0, c] - p[0, c]
    sums[0, 0] = jnp.sum(cv[0], axis=1)


def _combine(cv, p):
    B, _, PN = cv.shape
    return pl.pallas_call(
        _combine_body,
        grid=(B,),
        in_specs=[
            pl.BlockSpec((1, 16, PN), lambda b: (b, 0, 0)),
            pl.BlockSpec((1, 3, PN), lambda b: (b, 0, 0)),
        ],
        out_specs=[
            pl.BlockSpec((1, 3, PN), lambda b: (b, 0, 0)),
            pl.BlockSpec((1, 1, 16), lambda b: (b, 0, 0)),
        ],
        out_shape=[
            jax.ShapeDtypeStruct((B, 3, PN), jnp.float32),
            jax.ShapeDtypeStruct((B, 1, 16), jnp.float32),
        ],
    )(cv, p)


def _sc_scatter(idx_flat, upd_flat, PN):
    ROWS = idx_flat.shape[0]
    ROWS_PER_SC = ROWS // 2
    RPW = ROWS_PER_SC // 16
    CH = 128
    NCH = RPW // CH
    ACC = 6 * PN
    ZCH = ACC // 16

    mesh = plsc.VectorSubcoreMesh(core_axis_name="c", subcore_axis_name="s")

    @functools.partial(
        pl.kernel,
        out_type=jax.ShapeDtypeStruct((2 * ACC,), jnp.float32),
        mesh=mesh,
        scratch_types=[
            pltpu.VMEM((CH, 128), jnp.int32),
            pltpu.VMEM((CH, 128), jnp.float32),
            pltpu.VMEM((ZCH,), jnp.float32),
            pltpu.VMEM_SHARED((ACC,), jnp.float32),
        ],
    )
    def scat(idx_hbm, upd_hbm, p_hbm, idx_v, upd_v, zbuf, acc_sh):
        cid = lax.axis_index("c")
        sid = lax.axis_index("s")

        def zb(i, carry):
            zbuf[pl.ds(i * 16, 16)] = jnp.zeros((16,), jnp.float32)
            return carry
        lax.fori_loop(0, ZCH // 16, zb, 0)
        pltpu.sync_copy(zbuf, acc_sh.at[pl.ds(sid * ZCH, ZCH)])
        plsc.subcore_barrier()

        base_row = cid * ROWS_PER_SC + sid * RPW

        def chunk(t, carry):
            r0 = base_row + t * CH
            pltpu.sync_copy(idx_hbm.at[pl.ds(r0, CH)], idx_v)
            pltpu.sync_copy(upd_hbm.at[pl.ds(r0, CH)], upd_v)

            def row(j, c2):
                pltpu.sync_copy(upd_v.at[j], acc_sh.at[idx_v.at[j]], add=True)
                return c2
            lax.fori_loop(0, CH, row, 0)
            return carry
        lax.fori_loop(0, NCH, chunk, 0)
        plsc.subcore_barrier()
        pltpu.sync_copy(acc_sh.at[pl.ds(sid * ZCH, ZCH)],
                        p_hbm.at[pl.ds(cid * ACC + sid * ZCH, ZCH)])

    return scat(idx_flat, upd_flat)


def kernel(element_map, Zi, Nij, Zij, Rij, n_ghost, W1, b1, W2, b2):
    B, N, M = Nij.shape
    PN = ((N + _PALIGN - 1) // _PALIGN) * _PALIGN
    pad = PN - N
    rt = jnp.moveaxis(Rij, 3, 1)
    if pad:
        rt = jnp.pad(rt, ((0, 0), (0, 0), (0, pad), (0, 0)))
        Zijp = jnp.pad(Zij, ((0, 0), (0, pad), (0, 0)))
        Nijp = jnp.pad(Nij, ((0, 0), (0, pad), (0, 0)))
    else:
        Zijp, Nijp = Zij, Nij
    w1 = W1.astype(jnp.float32)
    b1r = b1.reshape(1, 32).astype(jnp.float32)
    w2r = W2.reshape(1, 32).astype(jnp.float32)
    b2r = b2.reshape(1, 1).astype(jnp.float32)
    GT = PN * M // 128
    rtf = rt.reshape(B, 3, GT, 128)
    zijf = Zijp.reshape(B, GT, 128)
    nijf = Nijp.reshape(B, GT, 128)
    cv4, df, nadj = _dense(rtf, zijf, nijf, w1, b1r, w2r, b2r, N, PN)
    cv = cv4.reshape(B, 16, PN)
    rows = B * 3 * GT
    p_flat = _sc_scatter(nadj.reshape(rows, 128), df.reshape(rows, 128), PN)
    p = p_flat.reshape(B, 3, PN)
    force_pl, sums = _combine(cv, p)
    ghost = jnp.asarray(n_ghost, jnp.float32) - 0.0
    Force = jnp.moveaxis(force_pl[:, :, :N], 1, 2) + ghost
    Ei = cv[:, 12, :N].reshape(B, N, 1)
    virial = jnp.moveaxis(cv[:, 3:12, :N], 1, 2)
    Virial = sums[:, 0, 3:12]
    return sums[:, 0, 12:13], Ei, Force, Virial, virial

# --- scband reference (transcript-rebuilt; emitter-appended) ---
"""Pipeline reference for scband-field-model-13795434955366 (READ-ONLY COPY).

The authoritative reference and input builder live on the scoring server;
editing this copy changes nothing except your own understanding.
"""

import jax, jax.numpy as jnp
import numpy as np

CUTOFF = 6.0
B, N, M = 4, 10000, 64
NGHOST = 0
DH = 32


def _calculate_distance_grad(Rij):
    # Rij: (b, n, m, 3) relative coordinates; padded/self pairs have ~zero norm handled by mask
    r2 = jnp.sum(Rij * Rij, axis=-1)
    safe_r2 = jnp.where(r2 > 1e-12, r2, 1.0)
    r = jnp.sqrt(safe_r2)
    mask = ((r < CUTOFF) & (r2 > 1e-12)).astype(Rij.dtype)
    inv_r = mask / r
    inv_r2 = mask / safe_r2
    # DeePMD-style environment features: [1/r, x/r^2, y/r^2, z/r^2]
    Ri = jnp.concatenate([inv_r[..., None], Rij * inv_r2[..., None]], axis=-1)  # (b,n,m,4)
    # analytic derivative dRi: (b,n,m,4,3)
    inv_r3 = inv_r2 / r
    row0 = -Rij * inv_r3[..., None]  # (b,n,m,3)
    eye = jnp.eye(3, dtype=Rij.dtype)
    term1 = eye * inv_r2[..., None, None]
    inv_r4 = inv_r2 / safe_r2
    term2 = -2.0 * Rij[..., :, None] * Rij[..., None, :] * inv_r4[..., None, None]
    dRi = jnp.concatenate([row0[..., None, :], term1 + term2], axis=-2)
    return Ri, dRi


def _field(Ri, Zij, W1, b1, W2, b2):
    # concrete implementation of the abstract field(): per-neighbor embedding MLP + pooling
    nb_mask = (Zij > 0).astype(Ri.dtype)[..., None]
    h = jnp.tanh((Ri * nb_mask) @ W1 + b1)  # (b,n,m,DH)
    D = jnp.sum(h * nb_mask, axis=2)  # (b,n,DH)
    Ei = D @ W2 + b2  # (b,n,1)
    Etot = jnp.sum(Ei, axis=1)  # (b,1)
    return Etot, Ei


def _forward(element_map, Zi, Nij, Zij, Rij, n_ghost, W1, b1, W2, b2):
    batch, n_atoms, max_neighbor = Nij.shape
    Ri, dRi = _calculate_distance_grad(Rij)
    Etot, Ei = _field(Ri, Zij, W1, b1, W2, b2)
    # dE/dRi via autodiff (mirrors torch.autograd.grad([Ei],[Ri], grad_outputs=ones))
    dE = jax.grad(lambda R: jnp.sum(_field(R, Zij, W1, b1, W2, b2)[1]))(Ri)  # (b,n,m,4)
    dE_Rid = -1.0 * jnp.sum(dE[..., None] * dRi, axis=-2)  # (b,n,m,3)
    ntot = n_atoms + NGHOST
    ghost_zero = (jnp.asarray(n_ghost) - NGHOST).astype(Rij.dtype)
    Force = jnp.zeros((batch, ntot, 3), dtype=Rij.dtype) + ghost_zero
    Force = Force.at[:, :n_atoms].add(jnp.sum(dE_Rid, axis=2))
    bidx = jnp.broadcast_to(jnp.arange(batch)[:, None, None], Nij.shape)
    Force = Force.at[bidx, Nij].add(-dE_Rid)  # Newton's third law scatter onto neighbors
    vp = (Rij[..., :, None] * dE_Rid[..., None, :]).reshape(batch, n_atoms, max_neighbor, 9)
    Virial = jnp.sum(vp, axis=(1, 2))  # (b,9)
    virial = jnp.zeros((batch, ntot, 9), dtype=Rij.dtype).at[:, :n_atoms].add(jnp.sum(vp, axis=2))
    return Etot, Ei, Force, Virial, virial


def setup_inputs(seed: int = 0):
    key = jax.random.key(seed)
    ks = jax.random.split(key, 8)
    element_map = jnp.arange(2, dtype=jnp.int32)
    Zi = jax.random.randint(ks[0], (B, N), 0, 8, dtype=jnp.int32)
    Nij = jax.random.randint(ks[1], (B, N, M), 0, N, dtype=jnp.int32)
    Zij = jax.random.randint(ks[2], (B, N, M), 0, 8, dtype=jnp.int32)
    Rij = jax.random.normal(ks[3], (B, N, M, 3), dtype=jnp.float32) * 2.0 + 0.5
    W1 = jax.random.normal(ks[4], (4, DH), dtype=jnp.float32) * 0.1
    b1 = jnp.zeros((DH,), dtype=jnp.float32)
    W2 = jax.random.normal(ks[5], (DH, 1), dtype=jnp.float32) * 0.1
    b2 = jnp.zeros((1,), dtype=jnp.float32)
    return {"element_map": element_map, "Zi": Zi, "Nij": Nij, "Zij": Zij, "Rij": Rij, "n_ghost": NGHOST, "W1": W1, "b1": b1, "W2": W2, "b2": b2}


def reference(element_map, Zi, Nij, Zij, Rij, n_ghost, W1, b1, W2, b2):
    return _forward(element_map, Zi, Nij, Zij, Rij, n_ghost, W1, b1, W2, b2)

if __name__ == "__main__":
    import jax
    _d = setup_inputs()
    print(jax.jit(kernel)(*tuple(_d.values())))

</pallas_src>

<mosaic_0001>
#map = affine_map<(d0, d1) -> (0, 0)>
#map1 = affine_map<(d0, d1) -> (0)>
module attributes {stable_mosaic.version = 14 : i64} {
  func.func @scat(%arg0: i32, %arg1: i32, %arg2: memref<61440x128xi32, #tpu.memory_space<hbm>>, %arg3: memref<61440x128xf32, #tpu.memory_space<hbm>>, %arg4: memref<122880xf32, #tpu.memory_space<hbm>>, %arg5: memref<128x128xi32, #tpu.memory_space<vmem>>, %arg6: memref<128x128xf32, #tpu.memory_space<vmem>>, %arg7: memref<3840xf32, #tpu.memory_space<vmem>>, %arg8: memref<61440xf32, #tpu.memory_space<vmem_shared>>) attributes {dimension_semantics = [#tpu.dimension_semantics<core_parallel>, #tpu.dimension_semantics<subcore_parallel>], iteration_bounds = array<i64: 2, 16>, scalar_prefetch = 0 : i64, scratch_operands = 4 : i64, tpu.core_type = #tpu.core_type<sc_vector_subcore>, window_params = [{transform_indices = #map}, {transform_indices = #map}, {transform_indices = #map1}]} {
    %scan3A = arith.constant 0 : i32
    %scan3A_0 = arith.constant 0 : i32
    %scan3A_1 = arith.constant 240 : i32
    %scan3A_2 = arith.addi %scan3A_0, %scan3A_1 : i32
    %scan3A_3 = arith.constant 1 : i32
    scf.for %scan3A_24 = %scan3A_0 to %scan3A_2 step %scan3A_3  : i32 {
      %broadcast_in_dim3A = arith.constant 0.000000e+00 : f32
      %broadcast_in_dim3A_25 = vector.broadcast %broadcast_in_dim3A : f32 to vector<16xf32>
      %mul3A_26 = arith.constant 16 : i32
      %mul3A_27 = arith.muli %scan3A_24, %mul3A_26 : i32
      %swap3A = arith.index_cast %mul3A_27 : i32 to index
      %swap3A_28 = tpu.vector_load %arg7[%swap3A] {strides = array<i32>} : memref<3840xf32, #tpu.memory_space<vmem>>, vector<16xf32>,
      %swap3A_29 = vector.shape_cast %swap3A_28 : vector<16xf32> to vector<16xf32>
      %swap3A_30 = vector.shape_cast %broadcast_in_dim3A_25 : vector<16xf32> to vector<16xf32>
      tpu.vector_store %arg7[%swap3A], %swap3A_30 {strides = array<i32>} : memref<3840xf32, #tpu.memory_space<vmem>>, vector<16xf32>,
    }
    %scan3A_4 = arith.constant 240 : i32
    %mul3A = arith.constant 3840 : i32
    %mul3A_5 = arith.muli %arg1, %mul3A : i32
    "tpu.region"() ({
      %run_scoped3A = tpu.sem_alloc : memref<!tpu.dma_semaphore, #tpu.memory_space<semaphore_mem>>
      %dma_start3A = tpu.memref_slice %arg8[%mul3A_5] : memref<61440xf32, #tpu.memory_space<vmem_shared>> -> memref<3840xf32, #tpu.memory_space<vmem_shared>>
      %dma_start3A_24 = tpu.memref_slice %arg8[%mul3A_5] : memref<61440xf32, #tpu.memory_space<vmem_shared>> -> memref<3840xf32, #tpu.memory_space<vmem_shared>>
      tpu.enqueue_dma source(%arg7 : memref<3840xf32, #tpu.memory_space<vmem>>) target(%dma_start3A_24 : memref<3840xf32, #tpu.memory_space<vmem_shared>>) target_semaphore(%run_scoped3A : memref<!tpu.dma_semaphore, #tpu.memory_space<semaphore_mem>>)
      %dma_wait3A = tpu.memref_slice %arg8[%mul3A_5] : memref<61440xf32, #tpu.memory_space<vmem_shared>> -> memref<3840xf32, #tpu.memory_space<vmem_shared>>
      %dma_wait3A_25 = tpu.memref_slice %arg8[%mul3A_5] : memref<61440xf32, #tpu.memory_space<vmem_shared>> -> memref<3840xf32, #tpu.memory_space<vmem_shared>>
      tpu.wait_dma2 semaphore(%run_scoped3A : memref<!tpu.dma_semaphore, #tpu.memory_space<semaphore_mem>>) src(%arg7 : memref<3840xf32, #tpu.memory_space<vmem>>) dst(%dma_wait3A_25 : memref<3840xf32, #tpu.memory_space<vmem_shared>>)
      tpu.yield
    }) : () -> ()
    %barrier3A = arith.constant 0 : index
    tpu.barrier barrier_id(%barrier3A)
    %mul3A_6 = arith.constant 30720 : i32
    %mul3A_7 = arith.muli %arg0, %mul3A_6 : i32
    %mul3A_8 = arith.constant 1920 : i32
    %mul3A_9 = arith.muli %arg1, %mul3A_8 : i32
    %add3A = arith.addi %mul3A_7, %mul3A_9 : i32
    %scan3A_10 = arith.constant 0 : i32
    %scan3A_11 = arith.constant 0 : i32
    %scan3A_12 = arith.constant 15 : i32
    %scan3A_13 = arith.addi %scan3A_11, %scan3A_12 : i32
    %scan3A_14 = arith.constant 1 : i32
    scf.for %scan3A_24 = %scan3A_11 to %scan3A_13 step %scan3A_14  : i32 {
      %mul3A_25 = arith.constant 128 : i32
      %mul3A_26 = arith.muli %scan3A_24, %mul3A_25 : i32
      %add3A_27 = arith.addi %add3A, %mul3A_26 : i32
      "tpu.region"() ({
        %run_scoped3A = tpu.sem_alloc : memref<!tpu.dma_semaphore, #tpu.memory_space<semaphore_mem>>
        %dma_start3A = arith.constant 0 : i32
        %dma_start3A_34 = tpu.memref_slice %arg2[%add3A_27, %dma_start3A] : memref<61440x128xi32, #tpu.memory_space<hbm>> -> memref<128x128xi32, #tpu.memory_space<hbm>>
        %dma_start3A_35 = arith.constant 0 : i32
        %dma_start3A_36 = tpu.memref_slice %arg2[%add3A_27, %dma_start3A_35] : memref<61440x128xi32, #tpu.memory_space<hbm>> -> memref<128x128xi32, #tpu.memory_space<hbm>>
        tpu.enqueue_dma source(%dma_start3A_36 : memref<128x128xi32, #tpu.memory_space<hbm>>) target(%arg5 : memref<128x128xi32, #tpu.memory_space<vmem>>) target_semaphore(%run_scoped3A : memref<!tpu.dma_semaphore, #tpu.memory_space<semaphore_mem>>)
        %dma_wait3A = arith.constant 0 : i32
        %dma_wait3A_37 = tpu.memref_slice %arg2[%add3A_27, %dma_wait3A] : memref<61440x128xi32, #tpu.memory_space<hbm>> -> memref<128x128xi32, #tpu.memory_space<hbm>>
        %dma_wait3A_38 = arith.constant 0 : i32
        %dma_wait3A_39 = tpu.memref_slice %arg2[%add3A_27, %dma_wait3A_38] : memref<61440x128xi32, #tpu.memory_space<hbm>> -> memref<128x128xi32, #tpu.memory_space<hbm>>
        tpu.wait_dma2 semaphore(%run_scoped3A : memref<!tpu.dma_semaphore, #tpu.memory_space<semaphore_mem>>) src(%dma_wait3A_39 : memref<128x128xi32, #tpu.memory_space<hbm>>) dst(%arg5 : memref<128x128xi32, #tpu.memory_space<vmem>>)
        tpu.yield
      }) : () -> ()
      "tpu.region"() ({
        %run_scoped3A = tpu.sem_alloc : memref<!tpu.dma_semaphore, #tpu.memory_space<semaphore_mem>>
        %dma_start3A = arith.constant 0 : i32
        %dma_start3A_34 = tpu.memref_slice %arg3[%add3A_27, %dma_start3A] : memref<61440x128xf32, #tpu.memory_space<hbm>> -> memref<128x128xf32, #tpu.memory_space<hbm>>
        %dma_start3A_35 = arith.constant 0 : i32
        %dma_start3A_36 = tpu.memref_slice %arg3[%add3A_27, %dma_start3A_35] : memref<61440x128xf32, #tpu.memory_space<hbm>> -> memref<128x128xf32, #tpu.memory_space<hbm>>
        tpu.enqueue_dma source(%dma_start3A_36 : memref<128x128xf32, #tpu.memory_space<hbm>>) target(%arg6 : memref<128x128xf32, #tpu.memory_space<vmem>>) target_semaphore(%run_scoped3A : memref<!tpu.dma_semaphore, #tpu.memory_space<semaphore_mem>>)
        %dma_wait3A = arith.constant 0 : i32
        %dma_wait3A_37 = tpu.memref_slice %arg3[%add3A_27, %dma_wait3A] : memref<61440x128xf32, #tpu.memory_space<hbm>> -> memref<128x128xf32, #tpu.memory_space<hbm>>
        %dma_wait3A_38 = arith.constant 0 : i32
        %dma_wait3A_39 = tpu.memref_slice %arg3[%add3A_27, %dma_wait3A_38] : memref<61440x128xf32, #tpu.memory_space<hbm>> -> memref<128x128xf32, #tpu.memory_space<hbm>>
        tpu.wait_dma2 semaphore(%run_scoped3A : memref<!tpu.dma_semaphore, #tpu.memory_space<semaphore_mem>>) src(%dma_wait3A_39 : memref<128x128xf32, #tpu.memory_space<hbm>>) dst(%arg6 : memref<128x128xf32, #tpu.memory_space<vmem>>)
        tpu.yield
      }) : () -> ()
      %scan3A_28 = arith.constant 0 : i32
      %scan3A_29 = arith.constant 0 : i32
      %scan3A_30 = arith.constant 128 : i32
      %scan3A_31 = arith.addi %scan3A_29, %scan3A_30 : i32
      %scan3A_32 = arith.constant 1 : i32
      scf.for %scan3A_34 = %scan3A_29 to %scan3A_31 step %scan3A_32  : i32 {
        "tpu.region"() ({
          %run_scoped3A = tpu.sem_alloc : memref<!tpu.dma_semaphore, #tpu.memory_space<semaphore_mem>>
          %dma_start3A = arith.constant 0 : i32
          %dma_start3A_35 = tpu.memref_slice %arg6[%scan3A_34, %dma_start3A] : memref<128x128xf32, #tpu.memory_space<vmem>> -> memref<1x128xf32, #tpu.memory_space<vmem>>
          %dma_start3A_36 = tpu.memref_squeeze %dma_start3A_35 : memref<1x128xf32, #tpu.memory_space<vmem>> -> memref<128xf32, #tpu.memory_space<vmem>>
          %dma_start3A_37 = arith.constant 0 : i32
          %dma_start3A_38 = tpu.memref_slice %arg5[%scan3A_34, %dma_start3A_37] : memref<128x128xi32, #tpu.memory_space<vmem>> -> memref<1x128xi32, #tpu.memory_space<vmem>>
          %dma_start3A_39 = tpu.memref_squeeze %dma_start3A_38 : memref<1x128xi32, #tpu.memory_space<vmem>> -> memref<128xi32, #tpu.memory_space<vmem>>
          %dma_start3A_40 = arith.constant 0 : i32
          %dma_start3A_41 = tpu.memref_slice %arg8[%dma_start3A_40] : memref<61440xf32, #tpu.memory_space<vmem_shared>> -> memref<61440xf32, #tpu.memory_space<vmem_shared>>
          tpu.enqueue_indirect_dma source(%dma_start3A_36 : memref<128xf32, #tpu.memory_space<vmem>>) target(%dma_start3A_41 : memref<61440xf32, #tpu.memory_space<vmem_shared>>) offsets(%dma_start3A_39 : memref<128xi32, #tpu.memory_space<vmem>>) semaphore(%run_scoped3A : memref<!tpu.dma_semaphore, #tpu.memory_space<semaphore_mem>>) {add = true}
          %dma_wait3A = arith.constant 0 : i32
          %dma_wait3A_42 = tpu.memref_slice %arg6[%scan3A_34, %dma_wait3A] : memref<128x128xf32, #tpu.memory_space<vmem>> -> memref<1x128xf32, #tpu.memory_space<vmem>>
          %dma_wait3A_43 = tpu.memref_squeeze %dma_wait3A_42 : memref<1x128xf32, #tpu.memory_space<vmem>> -> memref<128xf32, #tpu.memory_space<vmem>>
          %dma_wait3A_44 = arith.constant 0 : i32
          %dma_wait3A_45 = tpu.memref_slice %arg5[%scan3A_34, %dma_wait3A_44] : memref<128x128xi32, #tpu.memory_space<vmem>> -> memref<1x128xi32, #tpu.memory_space<vmem>>
          %dma_wait3A_46 = tpu.memref_squeeze %dma_wait3A_45 : memref<1x128xi32, #tpu.memory_space<vmem>> -> memref<128xi32, #tpu.memory_space<vmem>>
          %dma_wait3A_47 = arith.constant 0 : i32
          %dma_wait3A_48 = tpu.memref_slice %arg8[%dma_wait3A_47] : memref<61440xf32, #tpu.memory_space<vmem_shared>> -> memref<61440xf32, #tpu.memory_space<vmem_shared>>
          tpu.wait_indirect_dma semaphore(%run_scoped3A : memref<!tpu.dma_semaphore, #tpu.memory_space<semaphore_mem>>) src(%dma_wait3A_43 : memref<128xf32, #tpu.memory_space<vmem>>) dst(%dma_wait3A_48 : memref<61440xf32, #tpu.memory_space<vmem_shared>>)
          tpu.yield
        }) : () -> ()
      }
      %scan3A_33 = arith.constant 128 : i32
    }
    %scan3A_15 = arith.constant 15 : i32
    %barrier3A_16 = arith.constant 0 : index
    tpu.barrier barrier_id(%barrier3A_16)
    %mul3A_17 = arith.constant 3840 : i32
    %mul3A_18 = arith.muli %arg1, %mul3A_17 : i32
    %mul3A_19 = arith.constant 61440 : i32
    %mul3A_20 = arith.muli %arg0, %mul3A_19 : i32
    %mul3A_21 = arith.constant 3840 : i32
    %mul3A_22 = arith.muli %arg1, %mul3A_21 : i32
    %add3A_23 = arith.addi %mul3A_20, %mul3A_22 : i32
    "tpu.region"() ({
      %run_scoped3A = tpu.sem_alloc : memref<!tpu.dma_semaphore, #tpu.memory_space<semaphore_mem>>
      %dma_start3A = tpu.memref_slice %arg4[%add3A_23] : memref<122880xf32, #tpu.memory_space<hbm>> -> memref<3840xf32, #tpu.memory_space<hbm>>
      %dma_start3A_24 = tpu.memref_slice %arg8[%mul3A_18] : memref<61440xf32, #tpu.memory_space<vmem_shared>> -> memref<3840xf32, #tpu.memory_space<vmem_shared>>
      tpu.enqueue_dma source(%dma_start3A_24 : memref<3840xf32, #tpu.memory_space<vmem_shared>>) target(%dma_start3A : memref<3840xf32, #tpu.memory_space<hbm>>) target_semaphore(%run_scoped3A : memref<!tpu.dma_semaphore, #tpu.memory_space<semaphore_mem>>)
      %dma_wait3A = tpu.memref_slice %arg4[%add3A_23] : memref<122880xf32, #tpu.memory_space<hbm>> -> memref<3840xf32, #tpu.memory_space<hbm>>
      %dma_wait3A_25 = tpu.memref_slice %arg8[%mul3A_18] : memref<61440xf32, #tpu.memory_space<vmem_shared>> -> memref<3840xf32, #tpu.memory_space<vmem_shared>>
      tpu.wait_dma2 semaphore(%run_scoped3A : memref<!tpu.dma_semaphore, #tpu.memory_space<semaphore_mem>>) src(%dma_wait3A_25 : memref<3840xf32, #tpu.memory_space<vmem_shared>>) dst(%dma_wait3A : memref<3840xf32, #tpu.memory_space<hbm>>)
      tpu.yield
    }) : () -> ()
    return
  }
}

module attributes {stable_mosaic.version = 14 : i64} {
  func.func @_dense_body(%arg0: i32, %arg1: i32, %arg2: memref<1x3x64x128xf32, #tpu.memory_space<vmem>>, %arg3: memref<1x64x128xi32, #tpu.memory_space<vmem>>, %arg4: memref<1x64x128xi32, #tpu.memory_space<vmem>>, %arg5: memref<4x32xf32, #tpu.memory_space<vmem>>, %arg6: memref<1x32xf32, #tpu.memory_space<vmem>>, %arg7: memref<1x32xf32, #tpu.memory_space<vmem>>, %arg8: memref<1x1xf32, #tpu.memory_space<vmem>>, %arg9: memref<1x16x64x2xf32, #tpu.memory_space<vmem>>, %arg10: memref<1x3x64x128xf32, #tpu.memory_space<vmem>>, %arg11: memref<1x3x64x128xi32, #tpu.memory_space<vmem>>) attributes {dimension_semantics = [#tpu.dimension_semantics<arbitrary>, #tpu.dimension_semantics<arbitrary>], iteration_bounds = array<i64: 4, 80>, scalar_prefetch = 0 : i64, scratch_operands = 0 : i64, tpu.core_type = #tpu.core_type<tc>, window_params = [{transform_indices = @transform_0, window_bounds = array<i64: 1, 3, 64, 128>}, {transform_indices = @transform_1, window_bounds = array<i64: 1, 64, 128>}, {transform_indices = @transform_2, window_bounds = array<i64: 1, 64, 128>}, {pipeline_mode = #tpu.pipeline_mode<synchronous>, transform_indices = @transform_3, window_bounds = array<i64: 4, 32>}, {pipeline_mode = #tpu.pipeline_mode<synchronous>, transform_indices = @transform_4, window_bounds = array<i64: 1, 32>}, {pipeline_mode = #tpu.pipeline_mode<synchronous>, transform_indices = @transform_5, window_bounds = array<i64: 1, 32>}, {pipeline_mode = #tpu.pipeline_mode<synchronous>, transform_indices = @transform_6, window_bounds = array<i64: 1, 1>}, {transform_indices = @transform_7, window_bounds = array<i64: 1, 16, 64, 2>}, {transform_indices = @transform_8, window_bounds = array<i64: 1, 3, 64, 128>}, {transform_indices = @transform_9, window_bounds = array<i64: 1, 3, 64, 128>}]} {
    %get3A = arith.constant 0 : index
    %get3A_0 = arith.constant 0 : index
    %get3A_1 = arith.constant 0 : index
    %get3A_2 = arith.constant 0 : index
    %get3A_3 = vector.load %arg2[%get3A, %get3A_0, %get3A_1, %get3A_2] : memref<1x3x64x128xf32, #tpu.memory_space<vmem>>, vector<1x1x64x128xf32>
    %get3A_4 = vector.shape_cast %get3A_3 : vector<1x1x64x128xf32> to vector<64x128xf32>
    %get3A_5 = arith.constant 0 : index
    %get3A_6 = arith.constant 1 : index
    %get3A_7 = arith.constant 0 : index
    %get3A_8 = arith.constant 0 : index
    %get3A_9 = vector.load %arg2[%get3A_5, %get3A_6, %get3A_7, %get3A_8] : memref<1x3x64x128xf32, #tpu.memory_space<vmem>>, vector<1x1x64x128xf32>
    %get3A_10 = vector.shape_cast %get3A_9 : vector<1x1x64x128xf32> to vector<64x128xf32>
    %get3A_11 = arith.constant 0 : index
    %get3A_12 = arith.constant 2 : index
    %get3A_13 = arith.constant 0 : index
    %get3A_14 = arith.constant 0 : index
    %get3A_15 = vector.load %arg2[%get3A_11, %get3A_12, %get3A_13, %get3A_14] : memref<1x3x64x128xf32, #tpu.memory_space<vmem>>, vector<1x1x64x128xf32>
    %get3A_16 = vector.shape_cast %get3A_15 : vector<1x1x64x128xf32> to vector<64x128xf32>
    %mul3A = arith.mulf %get3A_4, %get3A_4 : vector<64x128xf32>
    %mul3A_17 = arith.mulf %get3A_10, %get3A_10 : vector<64x128xf32>
    %add3A = arith.addf %mul3A, %mul3A_17 : vector<64x128xf32>
    %mul3A_18 = arith.mulf %get3A_16, %get3A_16 : vector<64x128xf32>
    %add3A_19 = arith.addf %add3A, %mul3A_18 : vector<64x128xf32>
    %gt3A = arith.constant 9.99999996E-13 : f32
    %gt3A_20 = vector.broadcast %gt3A : f32 to vector<64x128xf32>
    %gt3A_21 = arith.cmpf ogt, %add3A_19, %gt3A_20 : vector<64x128xf32>
    %jit3A = arith.constant 1.000000e+00 : f32
    %broadcast_in_dim3A = vector.broadcast %jit3A : f32 to vector<64x128xf32>
    %select_n3A = arith.select %gt3A_21, %add3A_19, %broadcast_in_dim3A : vector<64x128xi1>, vector<64x128xf32>
    %sqrt3A = math.sqrt %select_n3A : vector<64x128xf32>
    %lt3A = arith.constant 6.000000e+00 : f32
    %lt3A_22 = vector.broadcast %lt3A : f32 to vector<64x128xf32>
    %lt3A_23 = arith.cmpf olt, %sqrt3A, %lt3A_22 : vector<64x128xf32>
    %and3A = arith.andi %gt3A_21, %lt3A_23 : vector<64x128xi1>
    %jit3A_24 = arith.constant 1.000000e+00 : f32
    %jit3A_25 = arith.constant 0.000000e+00 : f32
    %broadcast_in_dim3A_26 = vector.broadcast %jit3A_24 : f32 to vector<64x128xf32>
    %broadcast_in_dim3A_27 = vector.broadcast %jit3A_25 : f32 to vector<64x128xf32>
    %select_n3A_28 = arith.select %and3A, %broadcast_in_dim3A_26, %broadcast_in_dim3A_27 : vector<64x128xi1>, vector<64x128xf32>
    %div3A = arith.divf %select_n3A_28, %sqrt3A : vector<64x128xf32>
    %div3A_29 = arith.divf %select_n3A_28, %select_n3A : vector<64x128xf32>
    %get3A_30 = arith.constant 0 : index
    %get3A_31 = arith.constant 0 : index
    %get3A_32 = arith.constant 0 : index
    %get3A_33 = vector.load %arg3[%get3A_30, %get3A_31, %get3A_32] : memref<1x64x128xi32, #tpu.memory_space<vmem>>, vector<1x64x128xi32>
    %get3A_34 = vector.shape_cast %get3A_33 : vector<1x64x128xi32> to vector<64x128xi32>
    %gt3A_35 = arith.constant 0 : i32
    %gt3A_36 = vector.broadcast %gt3A_35 : i32 to vector<64x128xi32>
    %gt3A_37 = arith.cmpi sgt, %get3A_34, %gt3A_36 : vector<64x128xi32>
    %convert_element_type3A = arith.extui %gt3A_37 : vector<64x128xi1> to vector<64x128xi32>
    %convert_element_type3A_38 = arith.sitofp %convert_element_type3A : vector<64x128xi32> to vector<64x128xf32>
    %mul3A_39 = arith.mulf %div3A, %convert_element_type3A_38 : vector<64x128xf32>
    %mul3A_40 = arith.mulf %get3A_4, %div3A_29 : vector<64x128xf32>
    %mul3A_41 = arith.mulf %mul3A_40, %convert_element_type3A_38 : vector<64x128xf32>
    %mul3A_42 = arith.mulf %get3A_10, %div3A_29 : vector<64x128xf32>
    %mul3A_43 = arith.mulf %mul3A_42, %convert_element_type3A_38 : vector<64x128xf32>
    %mul3A_44 = arith.mulf %get3A_16, %div3A_29 : vector<64x128xf32>
    %mul3A_45 = arith.mulf %mul3A_44, %convert_element_type3A_38 : vector<64x128xf32>
    %get3A_46 = arith.constant 0 : index
    %get3A_47 = arith.constant 0 : index
    %get3A_48 = vector.load %arg5[%get3A_46, %get3A_47] : memref<4x32xf32, #tpu.memory_space<vmem>>, vector<1x32xf32>
    %get3A_49 = vector.shape_cast %get3A_48 : vector<1x32xf32> to vector<32xf32>
    %broadcast_in_dim3A_50 = vector.shape_cast %get3A_49 : vector<32xf32> to vector<32x1xf32>
    %get3A_51 = arith.constant 1 : index
    %get3A_52 = arith.constant 0 : index
    %get3A_53 = vector.load %arg5[%get3A_51, %get3A_52] : memref<4x32xf32, #tpu.memory_space<vmem>>, vector<1x32xf32>
    %get3A_54 = vector.shape_cast %get3A_53 : vector<1x32xf32> to vector<32xf32>
    %broadcast_in_dim3A_55 = vector.shape_cast %get3A_54 : vector<32xf32> to vector<32x1xf32>
    %get3A_56 = arith.constant 2 : index
    %get3A_57 = arith.constant 0 : index
    %get3A_58 = vector.load %arg5[%get3A_56, %get3A_57] : memref<4x32xf32, #tpu.memory_space<vmem>>, vector<1x32xf32>
    %get3A_59 = vector.shape_cast %get3A_58 : vector<1x32xf32> to vector<32xf32>
    %broadcast_in_dim3A_60 = vector.shape_cast %get3A_59 : vector<32xf32> to vector<32x1xf32>
    %get3A_61 = arith.constant 3 : index
    %get3A_62 = arith.constant 0 : index
    %get3A_63 = vector.load %arg5[%get3A_61, %get3A_62] : memref<4x32xf32, #tpu.memory_space<vmem>>, vector<1x32xf32>
    %get3A_64 = vector.shape_cast %get3A_63 : vector<1x32xf32> to vector<32xf32>
    %broadcast_in_dim3A_65 = vector.shape_cast %get3A_64 : vector<32xf32> to vector<32x1xf32>
    %broadcast_in_dim3A_66 = vector.shape_cast %mul3A_39 : vector<64x128xf32> to vector<64x1x128xf32>
    %broadcast_in_dim3A_67 = vector.shape_cast %broadcast_in_dim3A_50 : vector<32x1xf32> to vector<1x32x1xf32>
    %mul3A_68 = vector.broadcast %broadcast_in_dim3A_66 : vector<64x1x128xf32> to vector<64x32x128xf32>
    %mul3A_69 = vector.broadcast %broadcast_in_dim3A_67 : vector<1x32x1xf32> to vector<64x32x128xf32>
    %mul3A_70 = arith.mulf %mul3A_68, %mul3A_69 : vector<64x32x128xf32>
    %broadcast_in_dim3A_71 = vector.shape_cast %mul3A_41 : vector<64x128xf32> to vector<64x1x128xf32>
    %broadcast_in_dim3A_72 = vector.shape_cast %broadcast_in_dim3A_55 : vector<32x1xf32> to vector<1x32x1xf32>
    %mul3A_73 = vector.broadcast %broadcast_in_dim3A_71 : vector<64x1x128xf32> to vector<64x32x128xf32>
    %mul3A_74 = vector.broadcast %broadcast_in_dim3A_72 : vector<1x32x1xf32> to vector<64x32x128xf32>
    %mul3A_75 = arith.mulf %mul3A_73, %mul3A_74 : vector<64x32x128xf32>
    %add3A_76 = arith.addf %mul3A_70, %mul3A_75 : vector<64x32x128xf32>
    %broadcast_in_dim3A_77 = vector.shape_cast %mul3A_43 : vector<64x128xf32> to vector<64x1x128xf32>
    %broadcast_in_dim3A_78 = vector.shape_cast %broadcast_in_dim3A_60 : vector<32x1xf32> to vector<1x32x1xf32>
    %mul3A_79 = vector.broadcast %broadcast_in_dim3A_77 : vector<64x1x128xf32> to vector<64x32x128xf32>
    %mul3A_80 = vector.broadcast %broadcast_in_dim3A_78 : vector<1x32x1xf32> to vector<64x32x128xf32>
    %mul3A_81 = arith.mulf %mul3A_79, %mul3A_80 : vector<64x32x128xf32>
    %add3A_82 = arith.addf %add3A_76, %mul3A_81 : vector<64x32x128xf32>
    %broadcast_in_dim3A_83 = vector.shape_cast %mul3A_45 : vector<64x128xf32> to vector<64x1x128xf32>
    %broadcast_in_dim3A_84 = vector.shape_cast %broadcast_in_dim3A_65 : vector<32x1xf32> to vector<1x32x1xf32>
    %mul3A_85 = vector.broadcast %broadcast_in_dim3A_83 : vector<64x1x128xf32> to vector<64x32x128xf32>
    %mul3A_86 = vector.broadcast %broadcast_in_dim3A_84 : vector<1x32x1xf32> to vector<64x32x128xf32>
    %mul3A_87 = arith.mulf %mul3A_85, %mul3A_86 : vector<64x32x128xf32>
    %add3A_88 = arith.addf %add3A_82, %mul3A_87 : vector<64x32x128xf32>
    %get3A_89 = arith.constant 0 : index
    %get3A_90 = arith.constant 0 : index
    %get3A_91 = vector.load %arg6[%get3A_89, %get3A_90] : memref<1x32xf32, #tpu.memory_space<vmem>>, vector<1x32xf32>
    %get3A_92 = vector.shape_cast %get3A_91 : vector<1x32xf32> to vector<32xf32>
    %broadcast_in_dim3A_93 = vector.shape_cast %get3A_92 : vector<32xf32> to vector<32x1xf32>
    %broadcast_in_dim3A_94 = vector.shape_cast %broadcast_in_dim3A_93 : vector<32x1xf32> to vector<1x32x1xf32>
    %add3A_95 = vector.broadcast %broadcast_in_dim3A_94 : vector<1x32x1xf32> to vector<64x32x128xf32>
    %add3A_96 = arith.addf %add3A_88, %add3A_95 : vector<64x32x128xf32>
    %tanh3A = math.tanh %add3A_96 : vector<64x32x128xf32>
    %get3A_97 = arith.constant 0 : index
    %get3A_98 = arith.constant 0 : index
    %get3A_99 = vector.load %arg7[%get3A_97, %get3A_98] : memref<1x32xf32, #tpu.memory_space<vmem>>, vector<1x32xf32>
    %get3A_100 = vector.shape_cast %get3A_99 : vector<1x32xf32> to vector<32xf32>
    %broadcast_in_dim3A_101 = vector.shape_cast %get3A_100 : vector<32xf32> to vector<32x1xf32>
    %mul3A_102 = arith.constant 128 : i32
    %mul3A_103 = arith.muli %arg1, %mul3A_102 : i32
    %iota3A = tpu.iota {dimensions = array<i32: 0>} : vector<64x2xi32>
    %mul3A_104 = arith.constant 2 : i32
    %mul3A_105 = vector.broadcast %mul3A_104 : i32 to vector<64x2xi32>
    %mul3A_106 = arith.muli %mul3A_105, %iota3A : vector<64x2xi32>
    %add3A_107 = vector.broadcast %mul3A_103 : i32 to vector<64x2xi32>
    %add3A_108 = arith.addi %add3A_107, %mul3A_106 : vector<64x2xi32>
    %iota3A_109 = tpu.iota {dimensions = array<i32: 1>} : vector<64x2xi32>
    %add3A_110 = arith.addi %add3A_108, %iota3A_109 : vector<64x2xi32>
    %lt3A_111 = arith.constant 10000 : i32
    %lt3A_112 = vector.broadcast %lt3A_111 : i32 to vector<64x2xi32>
    %lt3A_113 = arith.cmpi slt, %add3A_110, %lt3A_112 : vector<64x2xi32>
    %convert_element_type3A_114 = arith.extui %lt3A_113 : vector<64x2xi1> to vector<64x2xi32>
    %convert_element_type3A_115 = arith.sitofp %convert_element_type3A_114 : vector<64x2xi32> to vector<64x2xf32>
    %broadcast_in_dim3A_116 = vector.shape_cast %broadcast_in_dim3A_101 : vector<32x1xf32> to vector<1x32x1xf32>
    %mul3A_117 = vector.broadcast %broadcast_in_dim3A_116 : vector<1x32x1xf32> to vector<64x32x128xf32>
    %mul3A_118 = arith.mulf %tanh3A, %mul3A_117 : vector<64x32x128xf32>
    %reduce_sum3A = arith.constant dense<0.000000e+00> : vector<64x128xf32>
    %reduce_sum3A_119 = vector.multi_reduction <add>, %mul3A_118, %reduce_sum3A [1] : vector<64x32x128xf32> to vector<64x128xf32>
    %mul3A_120 = arith.mulf %reduce_sum3A_119, %convert_element_type3A_38 : vector<64x128xf32>
    %slice3A = vector.extract_strided_slice %mul3A_120 {offsets = [0, 0], sizes = [64, 64], strides = [1, 1]} : vector<64x128xf32> to vector<64x64xf32>
    %reduce_sum3A_121 = arith.constant dense<0.000000e+00> : vector<64xf32>
    %reduce_sum3A_122 = vector.multi_reduction <add>, %slice3A, %reduce_sum3A_121 [1] : vector<64x64xf32> to vector<64xf32>
    %slice3A_123 = vector.extract_strided_slice %mul3A_120 {offsets = [0, 64], sizes = [64, 64], strides = [1, 1]} : vector<64x128xf32> to vector<64x64xf32>
    %reduce_sum3A_124 = arith.constant dense<0.000000e+00> : vector<64xf32>
    %reduce_sum3A_125 = vector.multi_reduction <add>, %slice3A_123, %reduce_sum3A_124 [1] : vector<64x64xf32> to vector<64xf32>
    %stack3A = vector.shape_cast %reduce_sum3A_122 : vector<64xf32> to vector<64x1xf32>
    %stack3A_126 = vector.shape_cast %reduce_sum3A_125 : vector<64xf32> to vector<64x1xf32>
    %stack3A_127 = tpu.concatenate %stack3A, %stack3A_126 in 1 : vector<64x1xf32>, vector<64x1xf32> -> vector<64x2xf32>
    %get3A_128 = arith.constant 0 : index
    %get3A_129 = arith.constant 0 : index
    %get3A_130 = vector.load %arg8[%get3A_128, %get3A_129] : memref<1x1xf32, #tpu.memory_space<vmem>>, vector<1x1xf32>
    %get3A_131 = vector.extract %get3A_130[0, 0] : f32 from vector<1x1xf32>
    %add3A_132 = vector.broadcast %get3A_131 : f32 to vector<64x2xf32>
    %add3A_133 = arith.addf %stack3A_127, %add3A_132 : vector<64x2xf32>
    %mul3A_134 = arith.mulf %add3A_133, %convert_element_type3A_115 : vector<64x2xf32>
    %mul3A_135 = arith.mulf %tanh3A, %tanh3A : vector<64x32x128xf32>
    %sub3A = arith.constant 1.000000e+00 : f32
    %sub3A_136 = vector.broadcast %sub3A : f32 to vector<64x32x128xf32>
    %sub3A_137 = arith.subf %sub3A_136, %mul3A_135 : vector<64x32x128xf32>
    %broadcast_in_dim3A_138 = vector.shape_cast %broadcast_in_dim3A_101 : vector<32x1xf32> to vector<1x32x1xf32>
    %mul3A_139 = vector.broadcast %broadcast_in_dim3A_138 : vector<1x32x1xf32> to vector<64x32x128xf32>
    %mul3A_140 = arith.mulf %sub3A_137, %mul3A_139 : vector<64x32x128xf32>
    %broadcast_in_dim3A_141 = vector.shape_cast %broadcast_in_dim3A_50 : vector<32x1xf32> to vector<1x32x1xf32>
    %mul3A_142 = vector.broadcast %broadcast_in_dim3A_141 : vector<1x32x1xf32> to vector<64x32x128xf32>
    %mul3A_143 = arith.mulf %mul3A_140, %mul3A_142 : vector<64x32x128xf32>
    %reduce_sum3A_144 = arith.constant dense<0.000000e+00> : vector<64x128xf32>
    %reduce_sum3A_145 = vector.multi_reduction <add>, %mul3A_143, %reduce_sum3A_144 [1] : vector<64x32x128xf32> to vector<64x128xf32>
    %mul3A_146 = arith.mulf %reduce_sum3A_145, %convert_element_type3A_38 : vector<64x128xf32>
    %broadcast_in_dim3A_147 = vector.shape_cast %broadcast_in_dim3A_55 : vector<32x1xf32> to vector<1x32x1xf32>
    %mul3A_148 = vector.broadcast %broadcast_in_dim3A_147 : vector<1x32x1xf32> to vector<64x32x128xf32>
    %mul3A_149 = arith.mulf %mul3A_140, %mul3A_148 : vector<64x32x128xf32>
    %reduce_sum3A_150 = arith.constant dense<0.000000e+00> : vector<64x128xf32>
    %reduce_sum3A_151 = vector.multi_reduction <add>, %mul3A_149, %reduce_sum3A_150 [1] : vector<64x32x128xf32> to vector<64x128xf32>
    %mul3A_152 = arith.mulf %reduce_sum3A_151, %convert_element_type3A_38 : vector<64x128xf32>
    %broadcast_in_dim3A_153 = vector.shape_cast %broadcast_in_dim3A_60 : vector<32x1xf32> to vector<1x32x1xf32>
    %mul3A_154 = vector.broadcast %broadcast_in_dim3A_153 : vector<1x32x1xf32> to vector<64x32x128xf32>
    %mul3A_155 = arith.mulf %mul3A_140, %mul3A_154 : vector<64x32x128xf32>
    %reduce_sum3A_156 = arith.constant dense<0.000000e+00> : vector<64x128xf32>
    %reduce_sum3A_157 = vector.multi_reduction <add>, %mul3A_155, %reduce_sum3A_156 [1] : vector<64x32x128xf32> to vector<64x128xf32>
    %mul3A_158 = arith.mulf %reduce_sum3A_157, %convert_element_type3A_38 : vector<64x128xf32>
    %broadcast_in_dim3A_159 = vector.shape_cast %broadcast_in_dim3A_65 : vector<32x1xf32> to vector<1x32x1xf32>
    %mul3A_160 = vector.broadcast %broadcast_in_dim3A_159 : vector<1x32x1xf32> to vector<64x32x128xf32>
    %mul3A_161 = arith.mulf %mul3A_140, %mul3A_160 : vector<64x32x128xf32>
    %reduce_sum3A_162 = arith.constant dense<0.000000e+00> : vector<64x128xf32>
    %reduce_sum3A_163 = vector.multi_reduction <add>, %mul3A_161, %reduce_sum3A_162 [1] : vector<64x32x128xf32> to vector<64x128xf32>
    %mul3A_164 = arith.mulf %reduce_sum3A_163, %convert_element_type3A_38 : vector<64x128xf32>
    %mul3A_165 = arith.mulf %div3A, %div3A_29 : vector<64x128xf32>
    %mul3A_166 = arith.mulf %div3A_29, %div3A_29 : vector<64x128xf32>
    %mul3A_167 = arith.mulf %mul3A_152, %get3A_4 : vector<64x128xf32>
    %mul3A_168 = arith.mulf %mul3A_158, %get3A_10 : vector<64x128xf32>
    %add3A_169 = arith.addf %mul3A_167, %mul3A_168 : vector<64x128xf32>
    %mul3A_170 = arith.mulf %mul3A_164, %get3A_16 : vector<64x128xf32>
    %add3A_171 = arith.addf %add3A_169, %mul3A_170 : vector<64x128xf32>
    %mul3A_172 = arith.mulf %mul3A_146, %mul3A_165 : vector<64x128xf32>
    %mul3A_173 = arith.constant 2.000000e+00 : f32
    %mul3A_174 = vector.broadcast %mul3A_173 : f32 to vector<64x128xf32>
    %mul3A_175 = arith.mulf %mul3A_174, %add3A_171 : vector<64x128xf32>
    %mul3A_176 = arith.mulf %mul3A_175, %mul3A_166 : vector<64x128xf32>
    %add3A_177 = arith.addf %mul3A_172, %mul3A_176 : vector<64x128xf32>
    %mul3A_178 = arith.mulf %add3A_177, %get3A_4 : vector<64x128xf32>
    %mul3A_179 = arith.mulf %mul3A_152, %div3A_29 : vector<64x128xf32>
    %sub3A_180 = arith.subf %mul3A_178, %mul3A_179 : vector<64x128xf32>
    %mul3A_181 = arith.mulf %add3A_177, %get3A_10 : vector<64x128xf32>
    %mul3A_182 = arith.mulf %mul3A_158, %div3A_29 : vector<64x128xf32>
    %sub3A_183 = arith.subf %mul3A_181, %mul3A_182 : vector<64x128xf32>
    %mul3A_184 = arith.mulf %add3A_177, %get3A_16 : vector<64x128xf32>
    %mul3A_185 = arith.mulf %mul3A_164, %div3A_29 : vector<64x128xf32>
    %sub3A_186 = arith.subf %mul3A_184, %mul3A_185 : vector<64x128xf32>
    %swap3A = arith.constant 0 : index
    %swap3A_187 = arith.constant 0 : index
    %swap3A_188 = arith.constant 0 : index
    %swap3A_189 = arith.constant 0 : index
    %swap3A_190 = vector.load %arg10[%swap3A, %swap3A_187, %swap3A_188, %swap3A_189] : memref<1x3x64x128xf32, #tpu.memory_space<vmem>>, vector<1x1x64x128xf32>
    %swap3A_191 = vector.shape_cast %swap3A_190 : vector<1x1x64x128xf32> to vector<64x128xf32>
    %swap3A_192 = vector.shape_cast %sub3A_180 : vector<64x128xf32> to vector<1x1x64x128xf32>
    tpu.vector_store %arg10[%swap3A, %swap3A_187, %swap3A_188, %swap3A_189], %swap3A_192 {strides = array<i32>} : memref<1x3x64x128xf32, #tpu.memory_space<vmem>>, vector<1x1x64x128xf32>,
    %swap3A_193 = arith.constant 0 : index
    %swap3A_194 = arith.constant 1 : index
    %swap3A_195 = arith.constant 0 : index
    %swap3A_196 = arith.constant 0 : index
    %swap3A_197 = vector.load %arg10[%swap3A_193, %swap3A_194, %swap3A_195, %swap3A_196] : memref<1x3x64x128xf32, #tpu.memory_space<vmem>>, vector<1x1x64x128xf32>
    %swap3A_198 = vector.shape_cast %swap3A_197 : vector<1x1x64x128xf32> to vector<64x128xf32>
    %swap3A_199 = vector.shape_cast %sub3A_183 : vector<64x128xf32> to vector<1x1x64x128xf32>
    tpu.vector_store %arg10[%swap3A_193, %swap3A_194, %swap3A_195, %swap3A_196], %swap3A_199 {strides = array<i32>} : memref<1x3x64x128xf32, #tpu.memory_space<vmem>>, vector<1x1x64x128xf32>,
    %swap3A_200 = arith.constant 0 : index
    %swap3A_201 = arith.constant 2 : index
    %swap3A_202 = arith.constant 0 : index
    %swap3A_203 = arith.constant 0 : index
    %swap3A_204 = vector.load %arg10[%swap3A_200, %swap3A_201, %swap3A_202, %swap3A_203] : memref<1x3x64x128xf32, #tpu.memory_space<vmem>>, vector<1x1x64x128xf32>
    %swap3A_205 = vector.shape_cast %swap3A_204 : vector<1x1x64x128xf32> to vector<64x128xf32>
    %swap3A_206 = vector.shape_cast %sub3A_186 : vector<64x128xf32> to vector<1x1x64x128xf32>
    tpu.vector_store %arg10[%swap3A_200, %swap3A_201, %swap3A_202, %swap3A_203], %swap3A_206 {strides = array<i32>} : memref<1x3x64x128xf32, #tpu.memory_space<vmem>>, vector<1x1x64x128xf32>,
    %rem3A = arith.constant 2 : i32
    %rem3A_207 = arith.remsi %arg0, %rem3A : i32
    %get3A_208 = arith.constant 0 : index
    %get3A_209 = arith.constant 0 : index
    %get3A_210 = arith.constant 0 : index
    %get3A_211 = vector.load %arg4[%get3A_208, %get3A_209, %get3A_210] : memref<1x64x128xi32, #tpu.memory_space<vmem>>, vector<1x64x128xi32>
    %get3A_212 = vector.shape_cast %get3A_211 : vector<1x64x128xi32> to vector<64x128xi32>
    %mul3A_213 = arith.constant 3 : i32
    %mul3A_214 = arith.muli %rem3A_207, %mul3A_213 : i32
    %add3A_215 = arith.constant 0 : i32
    %add3A_216 = arith.addi %mul3A_214, %add3A_215 : i32
    %mul3A_217 = arith.constant 10240 : i32
    %mul3A_218 = arith.muli %add3A_216, %mul3A_217 : i32
    %add3A_219 = vector.broadcast %mul3A_218 : i32 to vector<64x128xi32>
    %add3A_220 = arith.addi %get3A_212, %add3A_219 : vector<64x128xi32>
    %swap3A_221 = arith.constant 0 : index
    %swap3A_222 = arith.constant 0 : index
    %swap3A_223 = arith.constant 0 : index
    %swap3A_224 = arith.constant 0 : index
    %swap3A_225 = vector.load %arg11[%swap3A_221, %swap3A_222, %swap3A_223, %swap3A_224] : memref<1x3x64x128xi32, #tpu.memory_space<vmem>>, vector<1x1x64x128xi32>
    %swap3A_226 = vector.shape_cast %swap3A_225 : vector<1x1x64x128xi32> to vector<64x128xi32>
    %swap3A_227 = vector.shape_cast %add3A_220 : vector<64x128xi32> to vector<1x1x64x128xi32>
    tpu.vector_store %arg11[%swap3A_221, %swap3A_222, %swap3A_223, %swap3A_224], %swap3A_227 {strides = array<i32>} : memref<1x3x64x128xi32, #tpu.memory_space<vmem>>, vector<1x1x64x128xi32>,
    %mul3A_228 = arith.constant 3 : i32
    %mul3A_229 = arith.muli %rem3A_207, %mul3A_228 : i32
    %add3A_230 = arith.constant 1 : i32
    %add3A_231 = arith.addi %mul3A_229, %add3A_230 : i32
    %mul3A_232 = arith.constant 10240 : i32
    %mul3A_233 = arith.muli %add3A_231, %mul3A_232 : i32
    %add3A_234 = vector.broadcast %mul3A_233 : i32 to vector<64x128xi32>
    %add3A_235 = arith.addi %get3A_212, %add3A_234 : vector<64x128xi32>
    %swap3A_236 = arith.constant 0 : index
    %swap3A_237 = arith.constant 1 : index
    %swap3A_238 = arith.constant 0 : index
    %swap3A_239 = arith.constant 0 : index
    %swap3A_240 = vector.load %arg11[%swap3A_236, %swap3A_237, %swap3A_238, %swap3A_239] : memref<1x3x64x128xi32, #tpu.memory_space<vmem>>, vector<1x1x64x128xi32>
    %swap3A_241 = vector.shape_cast %swap3A_240 : vector<1x1x64x128xi32> to vector<64x128xi32>
    %swap3A_242 = vector.shape_cast %add3A_235 : vector<64x128xi32> to vector<1x1x64x128xi32>
    tpu.vector_store %arg11[%swap3A_236, %swap3A_237, %swap3A_238, %swap3A_239], %swap3A_242 {strides = array<i32>} : memref<1x3x64x128xi32, #tpu.memory_space<vmem>>, vector<1x1x64x128xi32>,
    %mul3A_243 = arith.constant 3 : i32
    %mul3A_244 = arith.muli %rem3A_207, %mul3A_243 : i32
    %add3A_245 = arith.constant 2 : i32
    %add3A_246 = arith.addi %mul3A_244, %add3A_245 : i32
    %mul3A_247 = arith.constant 10240 : i32
    %mul3A_248 = arith.muli %add3A_246, %mul3A_247 : i32
    %add3A_249 = vector.broadcast %mul3A_248 : i32 to vector<64x128xi32>
    %add3A_250 = arith.addi %get3A_212, %add3A_249 : vector<64x128xi32>
    %swap3A_251 = arith.constant 0 : index
    %swap3A_252 = arith.constant 2 : index
    %swap3A_253 = arith.constant 0 : index
    %swap3A_254 = arith.constant 0 : index
    %swap3A_255 = vector.load %arg11[%swap3A_251, %swap3A_252, %swap3A_253, %swap3A_254] : memref<1x3x64x128xi32, #tpu.memory_space<vmem>>, vector<1x1x64x128xi32>
    %swap3A_256 = vector.shape_cast %swap3A_255 : vector<1x1x64x128xi32> to vector<64x128xi32>
    %swap3A_257 = vector.shape_cast %add3A_250 : vector<64x128xi32> to vector<1x1x64x128xi32>
    tpu.vector_store %arg11[%swap3A_251, %swap3A_252, %swap3A_253, %swap3A_254], %swap3A_257 {strides = array<i32>} : memref<1x3x64x128xi32, #tpu.memory_space<vmem>>, vector<1x1x64x128xi32>,
    %broadcast_in_dim3A_258 = arith.constant 0.000000e+00 : f32
    %broadcast_in_dim3A_259 = vector.broadcast %broadcast_in_dim3A_258 : f32 to vector<64x2xf32>
    %slice3A_260 = vector.extract_strided_slice %sub3A_180 {offsets = [0, 0], sizes = [64, 64], strides = [1, 1]} : vector<64x128xf32> to vector<64x64xf32>
    %reduce_sum3A_261 = arith.constant dense<0.000000e+00> : vector<64xf32>
    %reduce_sum3A_262 = vector.multi_reduction <add>, %slice3A_260, %reduce_sum3A_261 [1] : vector<64x64xf32> to vector<64xf32>
    %slice3A_263 = vector.extract_strided_slice %sub3A_180 {offsets = [0, 64], sizes = [64, 64], strides = [1, 1]} : vector<64x128xf32> to vector<64x64xf32>
    %reduce_sum3A_264 = arith.constant dense<0.000000e+00> : vector<64xf32>
    %reduce_sum3A_265 = vector.multi_reduction <add>, %slice3A_263, %reduce_sum3A_264 [1] : vector<64x64xf32> to vector<64xf32>
    %stack3A_266 = vector.shape_cast %reduce_sum3A_262 : vector<64xf32> to vector<64x1xf32>
    %stack3A_267 = vector.shape_cast %reduce_sum3A_265 : vector<64xf32> to vector<64x1xf32>
    %stack3A_268 = tpu.concatenate %stack3A_266, %stack3A_267 in 1 : vector<64x1xf32>, vector<64x1xf32> -> vector<64x2xf32>
    %swap3A_269 = arith.constant 0 : index
    %swap3A_270 = arith.constant 0 : index
    %swap3A_271 = arith.constant 0 : index
    %swap3A_272 = arith.constant 0 : index
    %swap3A_273 = vector.load %arg9[%swap3A_269, %swap3A_270, %swap3A_271, %swap3A_272] : memref<1x16x64x2xf32, #tpu.memory_space<vmem>>, vector<1x1x64x2xf32>
    %swap3A_274 = vector.shape_cast %swap3A_273 : vector<1x1x64x2xf32> to vector<64x2xf32>
    %swap3A_275 = vector.shape_cast %stack3A_268 : vector<64x2xf32> to vector<1x1x64x2xf32>
    tpu.vector_store %arg9[%swap3A_269, %swap3A_270, %swap3A_271, %swap3A_272], %swap3A_275 {strides = array<i32>} : memref<1x16x64x2xf32, #tpu.memory_space<vmem>>, vector<1x1x64x2xf32>,
    %slice3A_276 = vector.extract_strided_slice %sub3A_183 {offsets = [0, 0], sizes = [64, 64], strides = [1, 1]} : vector<64x128xf32> to vector<64x64xf32>
    %reduce_sum3A_277 = arith.constant dense<0.000000e+00> : vector<64xf32>
    %reduce_sum3A_278 = vector.multi_reduction <add>, %slice3A_276, %reduce_sum3A_277 [1] : vector<64x64xf32> to vector<64xf32>
    %slice3A_279 = vector.extract_strided_slice %sub3A_183 {offsets = [0, 64], sizes = [64, 64], strides = [1, 1]} : vector<64x128xf32> to vector<64x64xf32>
    %reduce_sum3A_280 = arith.constant dense<0.000000e+00> : vector<64xf32>
    %reduce_sum3A_281 = vector.multi_reduction <add>, %slice3A_279, %reduce_sum3A_280 [1] : vector<64x64xf32> to vector<64xf32>
    %stack3A_282 = vector.shape_cast %reduce_sum3A_278 : vector<64xf32> to vector<64x1xf32>
    %stack3A_283 = vector.shape_cast %reduce_sum3A_281 : vector<64xf32> to vector<64x1xf32>
    %stack3A_284 = tpu.concatenate %stack3A_282, %stack3A_283 in 1 : vector<64x1xf32>, vector<64x1xf32> -> vector<64x2xf32>
    %swap3A_285 = arith.constant 0 : index
    %swap3A_286 = arith.constant 1 : index
    %swap3A_287 = arith.constant 0 : index
    %swap3A_288 = arith.constant 0 : index
    %swap3A_289 = vector.load %arg9[%swap3A_285, %swap3A_286, %swap3A_287, %swap3A_288] : memref<1x16x64x2xf32, #tpu.memory_space<vmem>>, vector<1x1x64x2xf32>
    %swap3A_290 = vector.shape_cast %swap3A_289 : vector<1x1x64x2xf32> to vector<64x2xf32>
    %swap3A_291 = vector.shape_cast %stack3A_284 : vector<64x2xf32> to vector<1x1x64x2xf32>
    tpu.vector_store %arg9[%swap3A_285, %swap3A_286, %swap3A_287, %swap3A_288], %swap3A_291 {strides = array<i32>} : memref<1x16x64x2xf32, #tpu.memory_space<vmem>>, vector<1x1x64x2xf32>,
    %slice3A_292 = vector.extract_strided_slice %sub3A_186 {offsets = [0, 0], sizes = [64, 64], strides = [1, 1]} : vector<64x128xf32> to vector<64x64xf32>
    %reduce_sum3A_293 = arith.constant dense<0.000000e+00> : vector<64xf32>
    %reduce_sum3A_294 = vector.multi_reduction <add>, %slice3A_292, %reduce_sum3A_293 [1] : vector<64x64xf32> to vector<64xf32>
    %slice3A_295 = vector.extract_strided_slice %sub3A_186 {offsets = [0, 64], sizes = [64, 64], strides = [1, 1]} : vector<64x128xf32> to vector<64x64xf32>
    %reduce_sum3A_296 = arith.constant dense<0.000000e+00> : vector<64xf32>
    %reduce_sum3A_297 = vector.multi_reduction <add>, %slice3A_295, %reduce_sum3A_296 [1] : vector<64x64xf32> to vector<64xf32>
    %stack3A_298 = vector.shape_cast %reduce_sum3A_294 : vector<64xf32> to vector<64x1xf32>
    %stack3A_299 = vector.shape_cast %reduce_sum3A_297 : vector<64xf32> to vector<64x1xf32>
    %stack3A_300 = tpu.concatenate %stack3A_298, %stack3A_299 in 1 : vector<64x1xf32>, vector<64x1xf32> -> vector<64x2xf32>
    %swap3A_301 = arith.constant 0 : index
    %swap3A_302 = arith.constant 2 : index
    %swap3A_303 = arith.constant 0 : index
    %swap3A_304 = arith.constant 0 : index
    %swap3A_305 = vector.load %arg9[%swap3A_301, %swap3A_302, %swap3A_303, %swap3A_304] : memref<1x16x64x2xf32, #tpu.memory_space<vmem>>, vector<1x1x64x2xf32>
    %swap3A_306 = vector.shape_cast %swap3A_305 : vector<1x1x64x2xf32> to vector<64x2xf32>
    %swap3A_307 = vector.shape_cast %stack3A_300 : vector<64x2xf32> to vector<1x1x64x2xf32>
    tpu.vector_store %arg9[%swap3A_301, %swap3A_302, %swap3A_303, %swap3A_304], %swap3A_307 {strides = array<i32>} : memref<1x16x64x2xf32, #tpu.memory_space<vmem>>, vector<1x1x64x2xf32>,
    %mul3A_308 = arith.mulf %get3A_4, %sub3A_180 : vector<64x128xf32>
    %slice3A_309 = vector.extract_strided_slice %mul3A_308 {offsets = [0, 0], sizes = [64, 64], strides = [1, 1]} : vector<64x128xf32> to vector<64x64xf32>
    %reduce_sum3A_310 = arith.constant dense<0.000000e+00> : vector<64xf32>
    %reduce_sum3A_311 = vector.multi_reduction <add>, %slice3A_309, %reduce_sum3A_310 [1] : vector<64x64xf32> to vector<64xf32>
    %slice3A_312 = vector.extract_strided_slice %mul3A_308 {offsets = [0, 64], sizes = [64, 64], strides = [1, 1]} : vector<64x128xf32> to vector<64x64xf32>
    %reduce_sum3A_313 = arith.constant dense<0.000000e+00> : vector<64xf32>
    %reduce_sum3A_314 = vector.multi_reduction <add>, %slice3A_312, %reduce_sum3A_313 [1] : vector<64x64xf32> to vector<64xf32>
    %stack3A_315 = vector.shape_cast %reduce_sum3A_311 : vector<64xf32> to vector<64x1xf32>
    %stack3A_316 = vector.shape_cast %reduce_sum3A_314 : vector<64xf32> to vector<64x1xf32>
    %stack3A_317 = tpu.concatenate %stack3A_315, %stack3A_316 in 1 : vector<64x1xf32>, vector<64x1xf32> -> vector<64x2xf32>
    %swap3A_318 = arith.constant 0 : index
    %swap3A_319 = arith.constant 3 : index
    %swap3A_320 = arith.constant 0 : index
    %swap3A_321 = arith.constant 0 : index
    %swap3A_322 = vector.load %arg9[%swap3A_318, %swap3A_319, %swap3A_320, %swap3A_321] : memref<1x16x64x2xf32, #tpu.memory_space<vmem>>, vector<1x1x64x2xf32>
    %swap3A_323 = vector.shape_cast %swap3A_322 : vector<1x1x64x2xf32> to vector<64x2xf32>
    %swap3A_324 = vector.shape_cast %stack3A_317 : vector<64x2xf32> to vector<1x1x64x2xf32>
    tpu.vector_store %arg9[%swap3A_318, %swap3A_319, %swap3A_320, %swap3A_321], %swap3A_324 {strides = array<i32>} : memref<1x16x64x2xf32, #tpu.memory_space<vmem>>, vector<1x1x64x2xf32>,
    %mul3A_325 = arith.mulf %get3A_4, %sub3A_183 : vector<64x128xf32>
    %slice3A_326 = vector.extract_strided_slice %mul3A_325 {offsets = [0, 0], sizes = [64, 64], strides = [1, 1]} : vector<64x128xf32> to vector<64x64xf32>
    %reduce_sum3A_327 = arith.constant dense<0.000000e+00> : vector<64xf32>
    %reduce_sum3A_328 = vector.multi_reduction <add>, %slice3A_326, %reduce_sum3A_327 [1] : vector<64x64xf32> to vector<64xf32>
    %slice3A_329 = vector.extract_strided_slice %mul3A_325 {offsets = [0, 64], sizes = [64, 64], strides = [1, 1]} : vector<64x128xf32> to vector<64x64xf32>
    %reduce_sum3A_330 = arith.constant dense<0.000000e+00> : vector<64xf32>
    %reduce_sum3A_331 = vector.multi_reduction <add>, %slice3A_329, %reduce_sum3A_330 [1] : vector<64x64xf32> to vector<64xf32>
    %stack3A_332 = vector.shape_cast %reduce_sum3A_328 : vector<64xf32> to vector<64x1xf32>
    %stack3A_333 = vector.shape_cast %reduce_sum3A_331 : vector<64xf32> to vector<64x1xf32>
    %stack3A_334 = tpu.concatenate %stack3A_332, %stack3A_333 in 1 : vector<64x1xf32>, vector<64x1xf32> -> vector<64x2xf32>
    %swap3A_335 = arith.constant 0 : index
    %swap3A_336 = arith.constant 4 : index
    %swap3A_337 = arith.constant 0 : index
    %swap3A_338 = arith.constant 0 : index
    %swap3A_339 = vector.load %arg9[%swap3A_335, %swap3A_336, %swap3A_337, %swap3A_338] : memref<1x16x64x2xf32, #tpu.memory_space<vmem>>, vector<1x1x64x2xf32>
    %swap3A_340 = vector.shape_cast %swap3A_339 : vector<1x1x64x2xf32> to vector<64x2xf32>
    %swap3A_341 = vector.shape_cast %stack3A_334 : vector<64x2xf32> to vector<1x1x64x2xf32>
    tpu.vector_store %arg9[%swap3A_335, %swap3A_336, %swap3A_337, %swap3A_338], %swap3A_341 {strides = array<i32>} : memref<1x16x64x2xf32, #tpu.memory_space<vmem>>, vector<1x1x64x2xf32>,
    %mul3A_342 = arith.mulf %get3A_4, %sub3A_186 : vector<64x128xf32>
    %slice3A_343 = vector.extract_strided_slice %mul3A_342 {offsets = [0, 0], sizes = [64, 64], strides = [1, 1]} : vector<64x128xf32> to vector<64x64xf32>
    %reduce_sum3A_344 = arith.constant dense<0.000000e+00> : vector<64xf32>
    %reduce_sum3A_345 = vector.multi_reduction <add>, %slice3A_343, %reduce_sum3A_344 [1] : vector<64x64xf32> to vector<64xf32>
    %slice3A_346 = vector.extract_strided_slice %mul3A_342 {offsets = [0, 64], sizes = [64, 64], strides = [1, 1]} : vector<64x128xf32> to vector<64x64xf32>
    %reduce_sum3A_347 = arith.constant dense<0.000000e+00> : vector<64xf32>
    %reduce_sum3A_348 = vector.multi_reduction <add>, %slice3A_346, %reduce_sum3A_347 [1] : vector<64x64xf32> to vector<64xf32>
    %stack3A_349 = vector.shape_cast %reduce_sum3A_345 : vector<64xf32> to vector<64x1xf32>
    %stack3A_350 = vector.shape_cast %reduce_sum3A_348 : vector<64xf32> to vector<64x1xf32>
    %stack3A_351 = tpu.concatenate %stack3A_349, %stack3A_350 in 1 : vector<64x1xf32>, vector<64x1xf32> -> vector<64x2xf32>
    %swap3A_352 = arith.constant 0 : index
    %swap3A_353 = arith.constant 5 : index
    %swap3A_354 = arith.constant 0 : index
    %swap3A_355 = arith.constant 0 : index
    %swap3A_356 = vector.load %arg9[%swap3A_352, %swap3A_353, %swap3A_354, %swap3A_355] : memref<1x16x64x2xf32, #tpu.memory_space<vmem>>, vector<1x1x64x2xf32>
    %swap3A_357 = vector.shape_cast %swap3A_356 : vector<1x1x64x2xf32> to vector<64x2xf32>
    %swap3A_358 = vector.shape_cast %stack3A_351 : vector<64x2xf32> to vector<1x1x64x2xf32>
    tpu.vector_store %arg9[%swap3A_352, %swap3A_353, %swap3A_354, %swap3A_355], %swap3A_358 {strides = array<i32>} : memref<1x16x64x2xf32, #tpu.memory_space<vmem>>, vector<1x1x64x2xf32>,
    %mul3A_359 = arith.mulf %get3A_10, %sub3A_180 : vector<64x128xf32>
    %slice3A_360 = vector.extract_strided_slice %mul3A_359 {offsets = [0, 0], sizes = [64, 64], strides = [1, 1]} : vector<64x128xf32> to vector<64x64xf32>
    %reduce_sum3A_361 = arith.constant dense<0.000000e+00> : vector<64xf32>
    %reduce_sum3A_362 = vector.multi_reduction <add>, %slice3A_360, %reduce_sum3A_361 [1] : vector<64x64xf32> to vector<64xf32>
    %slice3A_363 = vector.extract_strided_slice %mul3A_359 {offsets = [0, 64], sizes = [64, 64], strides = [1, 1]} : vector<64x128xf32> to vector<64x64xf32>
    %reduce_sum3A_364 = arith.constant dense<0.000000e+00> : vector<64xf32>
    %reduce_sum3A_365 = vector.multi_reduction <add>, %slice3A_363, %reduce_sum3A_364 [1] : vector<64x64xf32> to vector<64xf32>
    %stack3A_366 = vector.shape_cast %reduce_sum3A_362 : vector<64xf32> to vector<64x1xf32>
    %stack3A_367 = vector.shape_cast %reduce_sum3A_365 : vector<64xf32> to vector<64x1xf32>
    %stack3A_368 = tpu.concatenate %stack3A_366, %stack3A_367 in 1 : vector<64x1xf32>, vector<64x1xf32> -> vector<64x2xf32>
    %swap3A_369 = arith.constant 0 : index
    %swap3A_370 = arith.constant 6 : index
    %swap3A_371 = arith.constant 0 : index
    %swap3A_372 = arith.constant 0 : index
    %swap3A_373 = vector.load %arg9[%swap3A_369, %swap3A_370, %swap3A_371, %swap3A_372] : memref<1x16x64x2xf32, #tpu.memory_space<vmem>>, vector<1x1x64x2xf32>
    %swap3A_374 = vector.shape_cast %swap3A_373 : vector<1x1x64x2xf32> to vector<64x2xf32>
    %swap3A_375 = vector.shape_cast %stack3A_368 : vector<64x2xf32> to vector<1x1x64x2xf32>
    tpu.vector_store %arg9[%swap3A_369, %swap3A_370, %swap3A_371, %swap3A_372], %swap3A_375 {strides = array<i32>} : memref<1x16x64x2xf32, #tpu.memory_space<vmem>>, vector<1x1x64x2xf32>,
    %mul3A_376 = arith.mulf %get3A_10, %sub3A_183 : vector<64x128xf32>
    %slice3A_377 = vector.extract_strided_slice %mul3A_376 {offsets = [0, 0], sizes = [64, 64], strides = [1, 1]} : vector<64x128xf32> to vector<64x64xf32>
    %reduce_sum3A_378 = arith.constant dense<0.000000e+00> : vector<64xf32>
    %reduce_sum3A_379 = vector.multi_reduction <add>, %slice3A_377, %reduce_sum3A_378 [1] : vector<64x64xf32> to vector<64xf32>
    %slice3A_380 = vector.extract_strided_slice %mul3A_376 {offsets = [0, 64], sizes = [64, 64], strides = [1, 1]} : vector<64x128xf32> to vector<64x64xf32>
    %reduce_sum3A_381 = arith.constant dense<0.000000e+00> : vector<64xf32>
    %reduce_sum3A_382 = vector.multi_reduction <add>, %slice3A_380, %reduce_sum3A_381 [1] : vector<64x64xf32> to vector<64xf32>
    %stack3A_383 = vector.shape_cast %reduce_sum3A_379 : vector<64xf32> to vector<64x1xf32>
    %stack3A_384 = vector.shape_cast %reduce_sum3A_382 : vector<64xf32> to vector<64x1xf32>
    %stack3A_385 = tpu.concatenate %stack3A_383, %stack3A_384 in 1 : vector<64x1xf32>, vector<64x1xf32> -> vector<64x2xf32>
    %swap3A_386 = arith.constant 0 : index
    %swap3A_387 = arith.constant 7 : index
    %swap3A_388 = arith.constant 0 : index
    %swap3A_389 = arith.constant 0 : index
    %swap3A_390 = vector.load %arg9[%swap3A_386, %swap3A_387, %swap3A_388, %swap3A_389] : memref<1x16x64x2xf32, #tpu.memory_space<vmem>>, vector<1x1x64x2xf32>
    %swap3A_391 = vector.shape_cast %swap3A_390 : vector<1x1x64x2xf32> to vector<64x2xf32>
    %swap3A_392 = vector.shape_cast %stack3A_385 : vector<64x2xf32> to vector<1x1x64x2xf32>
    tpu.vector_store %arg9[%swap3A_386, %swap3A_387, %swap3A_388, %swap3A_389], %swap3A_392 {strides = array<i32>} : memref<1x16x64x2xf32, #tpu.memory_space<vmem>>, vector<1x1x64x2xf32>,
    %mul3A_393 = arith.mulf %get3A_10, %sub3A_186 : vector<64x128xf32>
    %slice3A_394 = vector.extract_strided_slice %mul3A_393 {offsets = [0, 0], sizes = [64, 64], strides = [1, 1]} : vector<64x128xf32> to vector<64x64xf32>
    %reduce_sum3A_395 = arith.constant dense<0.000000e+00> : vector<64xf32>
    %reduce_sum3A_396 = vector.multi_reduction <add>, %slice3A_394, %reduce_sum3A_395 [1] : vector<64x64xf32> to vector<64xf32>
    %slice3A_397 = vector.extract_strided_slice %mul3A_393 {offsets = [0, 64], sizes = [64, 64], strides = [1, 1]} : vector<64x128xf32> to vector<64x64xf32>
    %reduce_sum3A_398 = arith.constant dense<0.000000e+00> : vector<64xf32>
    %reduce_sum3A_399 = vector.multi_reduction <add>, %slice3A_397, %reduce_sum3A_398 [1] : vector<64x64xf32> to vector<64xf32>
    %stack3A_400 = vector.shape_cast %reduce_sum3A_396 : vector<64xf32> to vector<64x1xf32>
    %stack3A_401 = vector.shape_cast %reduce_sum3A_399 : vector<64xf32> to vector<64x1xf32>
    %stack3A_402 = tpu.concatenate %stack3A_400, %stack3A_401 in 1 : vector<64x1xf32>, vector<64x1xf32> -> vector<64x2xf32>
    %swap3A_403 = arith.constant 0 : index
    %swap3A_404 = arith.constant 8 : index
    %swap3A_405 = arith.constant 0 : index
    %swap3A_406 = arith.constant 0 : index
    %swap3A_407 = vector.load %arg9[%swap3A_403, %swap3A_404, %swap3A_405, %swap3A_406] : memref<1x16x64x2xf32, #tpu.memory_space<vmem>>, vector<1x1x64x2xf32>
    %swap3A_408 = vector.shape_cast %swap3A_407 : vector<1x1x64x2xf32> to vector<64x2xf32>
    %swap3A_409 = vector.shape_cast %stack3A_402 : vector<64x2xf32> to vector<1x1x64x2xf32>
    tpu.vector_store %arg9[%swap3A_403, %swap3A_404, %swap3A_405, %swap3A_406], %swap3A_409 {strides = array<i32>} : memref<1x16x64x2xf32, #tpu.memory_space<vmem>>, vector<1x1x64x2xf32>,
    %mul3A_410 = arith.mulf %get3A_16, %sub3A_180 : vector<64x128xf32>
    %slice3A_411 = vector.extract_strided_slice %mul3A_410 {offsets = [0, 0], sizes = [64, 64], strides = [1, 1]} : vector<64x128xf32> to vector<64x64xf32>
    %reduce_sum3A_412 = arith.constant dense<0.000000e+00> : vector<64xf32>
    %reduce_sum3A_413 = vector.multi_reduction <add>, %slice3A_411, %reduce_sum3A_412 [1] : vector<64x64xf32> to vector<64xf32>
    %slice3A_414 = vector.extract_strided_slice %mul3A_410 {offsets = [0, 64], sizes = [64, 64], strides = [1, 1]} : vector<64x128xf32> to vector<64x64xf32>
    %reduce_sum3A_415 = arith.constant dense<0.000000e+00> : vector<64xf32>
    %reduce_sum3A_416 = vector.multi_reduction <add>, %slice3A_414, %reduce_sum3A_415 [1] : vector<64x64xf32> to vector<64xf32>
    %stack3A_417 = vector.shape_cast %reduce_sum3A_413 : vector<64xf32> to vector<64x1xf32>
    %stack3A_418 = vector.shape_cast %reduce_sum3A_416 : vector<64xf32> to vector<64x1xf32>
    %stack3A_419 = tpu.concatenate %stack3A_417, %stack3A_418 in 1 : vector<64x1xf32>, vector<64x1xf32> -> vector<64x2xf32>
    %swap3A_420 = arith.constant 0 : index
    %swap3A_421 = arith.constant 9 : index
    %swap3A_422 = arith.constant 0 : index
    %swap3A_423 = arith.constant 0 : index
    %swap3A_424 = vector.load %arg9[%swap3A_420, %swap3A_421, %swap3A_422, %swap3A_423] : memref<1x16x64x2xf32, #tpu.memory_space<vmem>>, vector<1x1x64x2xf32>
    %swap3A_425 = vector.shape_cast %swap3A_424 : vector<1x1x64x2xf32> to vector<64x2xf32>
    %swap3A_426 = vector.shape_cast %stack3A_419 : vector<64x2xf32> to vector<1x1x64x2xf32>
    tpu.vector_store %arg9[%swap3A_420, %swap3A_421, %swap3A_422, %swap3A_423], %swap3A_426 {strides = array<i32>} : memref<1x16x64x2xf32, #tpu.memory_space<vmem>>, vector<1x1x64x2xf32>,
    %mul3A_427 = arith.mulf %get3A_16, %sub3A_183 : vector<64x128xf32>
    %slice3A_428 = vector.extract_strided_slice %mul3A_427 {offsets = [0, 0], sizes = [64, 64], strides = [1, 1]} : vector<64x128xf32> to vector<64x64xf32>
    %reduce_sum3A_429 = arith.constant dense<0.000000e+00> : vector<64xf32>
    %reduce_sum3A_430 = vector.multi_reduction <add>, %slice3A_428, %reduce_sum3A_429 [1] : vector<64x64xf32> to vector<64xf32>
    %slice3A_431 = vector.extract_strided_slice %mul3A_427 {offsets = [0, 64], sizes = [64, 64], strides = [1, 1]} : vector<64x128xf32> to vector<64x64xf32>
    %reduce_sum3A_432 = arith.constant dense<0.000000e+00> : vector<64xf32>
    %reduce_sum3A_433 = vector.multi_reduction <add>, %slice3A_431, %reduce_sum3A_432 [1] : vector<64x64xf32> to vector<64xf32>
    %stack3A_434 = vector.shape_cast %reduce_sum3A_430 : vector<64xf32> to vector<64x1xf32>
    %stack3A_435 = vector.shape_cast %reduce_sum3A_433 : vector<64xf32> to vector<64x1xf32>
    %stack3A_436 = tpu.concatenate %stack3A_434, %stack3A_435 in 1 : vector<64x1xf32>, vector<64x1xf32> -> vector<64x2xf32>
    %swap3A_437 = arith.constant 0 : index
    %swap3A_438 = arith.constant 10 : index
    %swap3A_439 = arith.constant 0 : index
    %swap3A_440 = arith.constant 0 : index
    %swap3A_441 = vector.load %arg9[%swap3A_437, %swap3A_438, %swap3A_439, %swap3A_440] : memref<1x16x64x2xf32, #tpu.memory_space<vmem>>, vector<1x1x64x2xf32>
    %swap3A_442 = vector.shape_cast %swap3A_441 : vector<1x1x64x2xf32> to vector<64x2xf32>
    %swap3A_443 = vector.shape_cast %stack3A_436 : vector<64x2xf32> to vector<1x1x64x2xf32>
    tpu.vector_store %arg9[%swap3A_437, %swap3A_438, %swap3A_439, %swap3A_440], %swap3A_443 {strides = array<i32>} : memref<1x16x64x2xf32, #tpu.memory_space<vmem>>, vector<1x1x64x2xf32>,
    %mul3A_444 = arith.mulf %get3A_16, %sub3A_186 : vector<64x128xf32>
    %slice3A_445 = vector.extract_strided_slice %mul3A_444 {offsets = [0, 0], sizes = [64, 64], strides = [1, 1]} : vector<64x128xf32> to vector<64x64xf32>
    %reduce_sum3A_446 = arith.constant dense<0.000000e+00> : vector<64xf32>
    %reduce_sum3A_447 = vector.multi_reduction <add>, %slice3A_445, %reduce_sum3A_446 [1] : vector<64x64xf32> to vector<64xf32>
    %slice3A_448 = vector.extract_strided_slice %mul3A_444 {offsets = [0, 64], sizes = [64, 64], strides = [1, 1]} : vector<64x128xf32> to vector<64x64xf32>
    %reduce_sum3A_449 = arith.constant dense<0.000000e+00> : vector<64xf32>
    %reduce_sum3A_450 = vector.multi_reduction <add>, %slice3A_448, %reduce_sum3A_449 [1] : vector<64x64xf32> to vector<64xf32>
    %stack3A_451 = vector.shape_cast %reduce_sum3A_447 : vector<64xf32> to vector<64x1xf32>
    %stack3A_452 = vector.shape_cast %reduce_sum3A_450 : vector<64xf32> to vector<64x1xf32>
    %stack3A_453 = tpu.concatenate %stack3A_451, %stack3A_452 in 1 : vector<64x1xf32>, vector<64x1xf32> -> vector<64x2xf32>
    %swap3A_454 = arith.constant 0 : index
    %swap3A_455 = arith.constant 11 : index
    %swap3A_456 = arith.constant 0 : index
    %swap3A_457 = arith.constant 0 : index
    %swap3A_458 = vector.load %arg9[%swap3A_454, %swap3A_455, %swap3A_456, %swap3A_457] : memref<1x16x64x2xf32, #tpu.memory_space<vmem>>, vector<1x1x64x2xf32>
    %swap3A_459 = vector.shape_cast %swap3A_458 : vector<1x1x64x2xf32> to vector<64x2xf32>
    %swap3A_460 = vector.shape_cast %stack3A_453 : vector<64x2xf32> to vector<1x1x64x2xf32>
    tpu.vector_store %arg9[%swap3A_454, %swap3A_455, %swap3A_456, %swap3A_457], %swap3A_460 {strides = array<i32>} : memref<1x16x64x2xf32, #tpu.memory_space<vmem>>, vector<1x1x64x2xf32>,
    %swap3A_461 = arith.constant 0 : index
    %swap3A_462 = arith.constant 12 : index
    %swap3A_463 = arith.constant 0 : index
    %swap3A_464 = arith.constant 0 : index
    %swap3A_465 = vector.load %arg9[%swap3A_461, %swap3A_462, %swap3A_463, %swap3A_464] : memref<1x16x64x2xf32, #tpu.memory_space<vmem>>, vector<1x1x64x2xf32>
    %swap3A_466 = vector.shape_cast %swap3A_465 : vector<1x1x64x2xf32> to vector<64x2xf32>
    %swap3A_467 = vector.shape_cast %mul3A_134 : vector<64x2xf32> to vector<1x1x64x2xf32>
    tpu.vector_store %arg9[%swap3A_461, %swap3A_462, %swap3A_463, %swap3A_464], %swap3A_467 {strides = array<i32>} : memref<1x16x64x2xf32, #tpu.memory_space<vmem>>, vector<1x1x64x2xf32>,
    %swap3A_468 = arith.constant 0 : index
    %swap3A_469 = arith.constant 13 : index
    %swap3A_470 = arith.constant 0 : index
    %swap3A_471 = arith.constant 0 : index
    %swap3A_472 = vector.load %arg9[%swap3A_468, %swap3A_469, %swap3A_470, %swap3A_471] : memref<1x16x64x2xf32, #tpu.memory_space<vmem>>, vector<1x1x64x2xf32>
    %swap3A_473 = vector.shape_cast %swap3A_472 : vector<1x1x64x2xf32> to vector<64x2xf32>
    %swap3A_474 = vector.shape_cast %broadcast_in_dim3A_259 : vector<64x2xf32> to vector<1x1x64x2xf32>
    tpu.vector_store %arg9[%swap3A_468, %swap3A_469, %swap3A_470, %swap3A_471], %swap3A_474 {strides = array<i32>} : memref<1x16x64x2xf32, #tpu.memory_space<vmem>>, vector<1x1x64x2xf32>,
    %swap3A_475 = arith.constant 0 : index
    %swap3A_476 = arith.constant 14 : index
    %swap3A_477 = arith.constant 0 : index
    %swap3A_478 = arith.constant 0 : index
    %swap3A_479 = vector.load %arg9[%swap3A_475, %swap3A_476, %swap3A_477, %swap3A_478] : memref<1x16x64x2xf32, #tpu.memory_space<vmem>>, vector<1x1x64x2xf32>
    %swap3A_480 = vector.shape_cast %swap3A_479 : vector<1x1x64x2xf32> to vector<64x2xf32>
    %swap3A_481 = vector.shape_cast %broadcast_in_dim3A_259 : vector<64x2xf32> to vector<1x1x64x2xf32>
    tpu.vector_store %arg9[%swap3A_475, %swap3A_476, %swap3A_477, %swap3A_478], %swap3A_481 {strides = array<i32>} : memref<1x16x64x2xf32, #tpu.memory_space<vmem>>, vector<1x1x64x2xf32>,
    %swap3A_482 = arith.constant 0 : index
    %swap3A_483 = arith.constant 15 : index
    %swap3A_484 = arith.constant 0 : index
    %swap3A_485 = arith.constant 0 : index
    %swap3A_486 = vector.load %arg9[%swap3A_482, %swap3A_483, %swap3A_484, %swap3A_485] : memref<1x16x64x2xf32, #tpu.memory_space<vmem>>, vector<1x1x64x2xf32>
    %swap3A_487 = vector.shape_cast %swap3A_486 : vector<1x1x64x2xf32> to vector<64x2xf32>
    %swap3A_488 = vector.shape_cast %broadcast_in_dim3A_259 : vector<64x2xf32> to vector<1x1x64x2xf32>
    tpu.vector_store %arg9[%swap3A_482, %swap3A_483, %swap3A_484, %swap3A_485], %swap3A_488 {strides = array<i32>} : memref<1x16x64x2xf32, #tpu.memory_space<vmem>>, vector<1x1x64x2xf32>,
    return
  }
  func.func @transform_0(%arg0: i32, %arg1: i32) -> (i32, i32, i32, i32) {
    %c0_i32 = arith.constant 0 : i32
    %c0_i32_0 = arith.constant 0 : i32
    %c0_i32_1 = arith.constant 0 : i32
    return %arg0, %c0_i32, %arg1, %c0_i32_0 : i32, i32, i32, i32
  }
  func.func @transform_1(%arg0: i32, %arg1: i32) -> (i32, i32, i32) {
    %c0_i32 = arith.constant 0 : i32
    %c0_i32_0 = arith.constant 0 : i32
    return %arg0, %arg1, %c0_i32 : i32, i32, i32
  }
  func.func @transform_2(%arg0: i32, %arg1: i32) -> (i32, i32, i32) {
    %c0_i32 = arith.constant 0 : i32
    %c0_i32_0 = arith.constant 0 : i32
    return %arg0, %arg1, %c0_i32 : i32, i32, i32
  }
  func.func @transform_3(%arg0: i32, %arg1: i32) -> (i32, i32) {
    %c0_i32 = arith.constant 0 : i32
    %c0_i32_0 = arith.constant 0 : i32
    %c0_i32_1 = arith.constant 0 : i32
    return %c0_i32, %c0_i32_0 : i32, i32
  }
  func.func @transform_4(%arg0: i32, %arg1: i32) -> (i32, i32) {
    %c0_i32 = arith.constant 0 : i32
    %c0_i32_0 = arith.constant 0 : i32
    %c0_i32_1 = arith.constant 0 : i32
    return %c0_i32, %c0_i32_0 : i32, i32
  }
  func.func @transform_5(%arg0: i32, %arg1: i32) -> (i32, i32) {
    %c0_i32 = arith.constant 0 : i32
    %c0_i32_0 = arith.constant 0 : i32
    %c0_i32_1 = arith.constant 0 : i32
    return %c0_i32, %c0_i32_0 : i32, i32
  }
  func.func @transform_6(%arg0: i32, %arg1: i32) -> (i32, i32) {
    %c0_i32 = arith.constant 0 : i32
    %c0_i32_0 = arith.constant 0 : i32
    %c0_i32_1 = arith.constant 0 : i32
    return %c0_i32, %c0_i32_0 : i32, i32
  }
  func.func @transform_7(%arg0: i32, %arg1: i32) -> (i32, i32, i32, i32) {
    %c0_i32 = arith.constant 0 : i32
    %c0_i32_0 = arith.constant 0 : i32
    %c0_i32_1 = arith.constant 0 : i32
    return %arg0, %c0_i32, %arg1, %c0_i32_0 : i32, i32, i32, i32
  }
  func.func @transform_8(%arg0: i32, %arg1: i32) -> (i32, i32, i32, i32) {
    %c0_i32 = arith.constant 0 : i32
    %c0_i32_0 = arith.constant 0 : i32
    %c0_i32_1 = arith.constant 0 : i32
    return %arg0, %c0_i32, %arg1, %c0_i32_0 : i32, i32, i32, i32
  }
  func.func @transform_9(%arg0: i32, %arg1: i32) -> (i32, i32, i32, i32) {
    %c0_i32 = arith.constant 0 : i32
    %c0_i32_0 = arith.constant 0 : i32
    %c0_i32_1 = arith.constant 0 : i32
    return %arg0, %c0_i32, %arg1, %c0_i32_0 : i32, i32, i32, i32
  }
}

module attributes {stable_mosaic.version = 14 : i64} {
  func.func @_combine_body(%arg0: i32, %arg1: memref<1x16x10240xf32, #tpu.memory_space<vmem>>, %arg2: memref<1x3x10240xf32, #tpu.memory_space<vmem>>, %arg3: memref<1x3x10240xf32, #tpu.memory_space<vmem>>, %arg4: memref<1x1x16xf32, #tpu.memory_space<vmem>>) attributes {dimension_semantics = [#tpu.dimension_semantics<arbitrary>], iteration_bounds = array<i64: 4>, scalar_prefetch = 0 : i64, scratch_operands = 0 : i64, tpu.core_type = #tpu.core_type<tc>, window_params = [{transform_indices = @transform_0, window_bounds = array<i64: 1, 16, 10240>}, {transform_indices = @transform_1, window_bounds = array<i64: 1, 3, 10240>}, {transform_indices = @transform_2, window_bounds = array<i64: 1, 3, 10240>}, {transform_indices = @transform_3, window_bounds = array<i64: 1, 1, 16>}]} {
    %get3A = arith.constant 0 : index
    %get3A_0 = arith.constant 0 : index
    %get3A_1 = arith.constant 0 : index
    %get3A_2 = vector.load %arg1[%get3A, %get3A_0, %get3A_1] : memref<1x16x10240xf32, #tpu.memory_space<vmem>>, vector<1x1x10240xf32>
    %get3A_3 = vector.shape_cast %get3A_2 : vector<1x1x10240xf32> to vector<10240xf32>
    %get3A_4 = arith.constant 0 : index
    %get3A_5 = arith.constant 0 : index
    %get3A_6 = arith.constant 0 : index
    %get3A_7 = vector.load %arg2[%get3A_4, %get3A_5, %get3A_6] : memref<1x3x10240xf32, #tpu.memory_space<vmem>>, vector<1x1x10240xf32>
    %get3A_8 = vector.shape_cast %get3A_7 : vector<1x1x10240xf32> to vector<10240xf32>
    %sub3A = arith.subf %get3A_3, %get3A_8 : vector<10240xf32>
    %swap3A = arith.constant 0 : index
    %swap3A_9 = arith.constant 0 : index
    %swap3A_10 = arith.constant 0 : index
    %swap3A_11 = vector.load %arg3[%swap3A, %swap3A_9, %swap3A_10] : memref<1x3x10240xf32, #tpu.memory_space<vmem>>, vector<1x1x10240xf32>
    %swap3A_12 = vector.shape_cast %swap3A_11 : vector<1x1x10240xf32> to vector<10240xf32>
    %swap3A_13 = vector.shape_cast %sub3A : vector<10240xf32> to vector<1x1x10240xf32>
    tpu.vector_store %arg3[%swap3A, %swap3A_9, %swap3A_10], %swap3A_13 {strides = array<i32>} : memref<1x3x10240xf32, #tpu.memory_space<vmem>>, vector<1x1x10240xf32>,
    %get3A_14 = arith.constant 0 : index
    %get3A_15 = arith.constant 1 : index
    %get3A_16 = arith.constant 0 : index
    %get3A_17 = vector.load %arg1[%get3A_14, %get3A_15, %get3A_16] : memref<1x16x10240xf32, #tpu.memory_space<vmem>>, vector<1x1x10240xf32>
    %get3A_18 = vector.shape_cast %get3A_17 : vector<1x1x10240xf32> to vector<10240xf32>
    %get3A_19 = arith.constant 0 : index
    %get3A_20 = arith.constant 1 : index
    %get3A_21 = arith.constant 0 : index
    %get3A_22 = vector.load %arg2[%get3A_19, %get3A_20, %get3A_21] : memref<1x3x10240xf32, #tpu.memory_space<vmem>>, vector<1x1x10240xf32>
    %get3A_23 = vector.shape_cast %get3A_22 : vector<1x1x10240xf32> to vector<10240xf32>
    %sub3A_24 = arith.subf %get3A_18, %get3A_23 : vector<10240xf32>
    %swap3A_25 = arith.constant 0 : index
    %swap3A_26 = arith.constant 1 : index
    %swap3A_27 = arith.constant 0 : index
    %swap3A_28 = vector.load %arg3[%swap3A_25, %swap3A_26, %swap3A_27] : memref<1x3x10240xf32, #tpu.memory_space<vmem>>, vector<1x1x10240xf32>
    %swap3A_29 = vector.shape_cast %swap3A_28 : vector<1x1x10240xf32> to vector<10240xf32>
    %swap3A_30 = vector.shape_cast %sub3A_24 : vector<10240xf32> to vector<1x1x10240xf32>
    tpu.vector_store %arg3[%swap3A_25, %swap3A_26, %swap3A_27], %swap3A_30 {strides = array<i32>} : memref<1x3x10240xf32, #tpu.memory_space<vmem>>, vector<1x1x10240xf32>,
    %get3A_31 = arith.constant 0 : index
    %get3A_32 = arith.constant 2 : index
    %get3A_33 = arith.constant 0 : index
    %get3A_34 = vector.load %arg1[%get3A_31, %get3A_32, %get3A_33] : memref<1x16x10240xf32, #tpu.memory_space<vmem>>, vector<1x1x10240xf32>
    %get3A_35 = vector.shape_cast %get3A_34 : vector<1x1x10240xf32> to vector<10240xf32>
    %get3A_36 = arith.constant 0 : index
    %get3A_37 = arith.constant 2 : index
    %get3A_38 = arith.constant 0 : index
    %get3A_39 = vector.load %arg2[%get3A_36, %get3A_37, %get3A_38] : memref<1x3x10240xf32, #tpu.memory_space<vmem>>, vector<1x1x10240xf32>
    %get3A_40 = vector.shape_cast %get3A_39 : vector<1x1x10240xf32> to vector<10240xf32>
    %sub3A_41 = arith.subf %get3A_35, %get3A_40 : vector<10240xf32>
    %swap3A_42 = arith.constant 0 : index
    %swap3A_43 = arith.constant 2 : index
    %swap3A_44 = arith.constant 0 : index
    %swap3A_45 = vector.load %arg3[%swap3A_42, %swap3A_43, %swap3A_44] : memref<1x3x10240xf32, #tpu.memory_space<vmem>>, vector<1x1x10240xf32>
    %swap3A_46 = vector.shape_cast %swap3A_45 : vector<1x1x10240xf32> to vector<10240xf32>
    %swap3A_47 = vector.shape_cast %sub3A_41 : vector<10240xf32> to vector<1x1x10240xf32>
    tpu.vector_store %arg3[%swap3A_42, %swap3A_43, %swap3A_44], %swap3A_47 {strides = array<i32>} : memref<1x3x10240xf32, #tpu.memory_space<vmem>>, vector<1x1x10240xf32>,
    %get3A_48 = arith.constant 0 : index
    %get3A_49 = arith.constant 0 : index
    %get3A_50 = arith.constant 0 : index
    %get3A_51 = vector.load %arg1[%get3A_48, %get3A_49, %get3A_50] : memref<1x16x10240xf32, #tpu.memory_space<vmem>>, vector<1x16x10240xf32>
    %get3A_52 = vector.shape_cast %get3A_51 : vector<1x16x10240xf32> to vector<16x10240xf32>
    %reduce_sum3A = arith.constant dense<0.000000e+00> : vector<16xf32>
    %reduce_sum3A_53 = vector.multi_reduction <add>, %get3A_52, %reduce_sum3A [1] : vector<16x10240xf32> to vector<16xf32>
    %swap3A_54 = arith.constant 0 : index
    %swap3A_55 = arith.constant 0 : index
    %swap3A_56 = arith.constant 0 : index
    %swap3A_57 = vector.load %arg4[%swap3A_54, %swap3A_55, %swap3A_56] : memref<1x1x16xf32, #tpu.memory_space<vmem>>, vector<1x1x16xf32>
    %swap3A_58 = vector.shape_cast %swap3A_57 : vector<1x1x16xf32> to vector<16xf32>
    %swap3A_59 = vector.shape_cast %reduce_sum3A_53 : vector<16xf32> to vector<1x1x16xf32>
    tpu.vector_store %arg4[%swap3A_54, %swap3A_55, %swap3A_56], %swap3A_59 {strides = array<i32>} : memref<1x1x16xf32, #tpu.memory_space<vmem>>, vector<1x1x16xf32>,
    return
  }
  func.func @transform_0(%arg0: i32) -> (i32, i32, i32) {
    %c0_i32 = arith.constant 0 : i32
    %c0_i32_0 = arith.constant 0 : i32
    %c0_i32_1 = arith.constant 0 : i32
    return %arg0, %c0_i32, %c0_i32_0 : i32, i32, i32
  }
  func.func @transform_1(%arg0: i32) -> (i32, i32, i32) {
    %c0_i32 = arith.constant 0 : i32
    %c0_i32_0 = arith.constant 0 : i32
    %c0_i32_1 = arith.constant 0 : i32
    return %arg0, %c0_i32, %c0_i32_0 : i32, i32, i32
  }
  func.func @transform_2(%arg0: i32) -> (i32, i32, i32) {
    %c0_i32 = arith.constant 0 : i32
    %c0_i32_0 = arith.constant 0 : i32
    %c0_i32_1 = arith.constant 0 : i32
    return %arg0, %c0_i32, %c0_i32_0 : i32, i32, i32
  }
  func.func @transform_3(%arg0: i32) -> (i32, i32, i32) {
    %c0_i32 = arith.constant 0 : i32
    %c0_i32_0 = arith.constant 0 : i32
    %c0_i32_1 = arith.constant 0 : i32
    return %arg0, %c0_i32, %c0_i32_0 : i32, i32, i32
  }
}

</mosaic_0001>

<sc_bundles>
// kernel: kernel.5.cloned.1.call-start
scs
__scs_entry_jumppad:
0x0: {  	(pc) =	sbr.rel $0x88, $3  }
0x1: {  	(tag) =	ssettag $0x0;
	lr =	simm.s32 $0x1  }
0x2: {  	[smem:$0x3F99] =	sst lr;
	_ =	strace $0xD0000000  }
0x3: {  	_ = 	snop  }
0x4: {  	_ = 	snop  }
0x5: {  	_ = 	snop  }
0x6: {  	_ = 	snop  }
0x7: {  	_ = 	snop  }
__scs_overlays_trampoline_lowered:
0x8: {  	[smem:$0x3FA8] =	sst s0  }
0x9: {  	[smem:$0x3FA9] =	sst s1  }
0xa: {  	[smem:$0x3FAA] =	sst s2  }
0xb: {  	[smem:$0x3FAB] =	sst s3  }
0xc: {  	[smem:$0x3FAC] =	sst s4  }
0xd: {  	[smem:$0x3FAD] =	sst s5  }
0xe: {  	[smem:$0x3FAE] =	sst s6  }
0xf: {  	[smem:$0x3FAF] =	sst s7  }
0x10: {  	[smem:$0x3FB0] =	sst s8  }
0x11: {  	[smem:$0x3FB1] =	sst s9;
	s0 =	simm.s32 @!p0 $0x0  }
0x12: {  	s1 =	sld [smem:$0x3F97];
	s0 =	simm.s32 @p0 $0x1  }
0x13: {  	[smem:$0x3FB2] =	sst s0;
	s0 =	simm.s32 @!p1 $0x0  }
0x14: {  	s2 =	sld [smem:$0x3F96];
	s0 =	simm.s32 @p1 $0x1  }
0x15: {  	[smem:$0x3FB3] =	sst s0;
	s0 =	simm.s32 @!p2 $0x0  }
0x16: {  	s3 =	sld [smem:$0x3FDB];
	s0 =	simm.s32 @p2 $0x1  }
0x17: {  	s4 =	simm.s32 $0x1BF5;
	[smem:$0x3FB5] =	sst s0  }
0x18: {  	s0 =	sld [smem:$0x3F98];
	_ =	swait.ge [sflag:s4], $0x0  }
0x19: {  	s7 =	sld [smem:$0x3F99]  }
0x1a: {  	s8 =	sadd.s32 $0xFFFFE003, lr  }
0x1b: {  	s9 =	sadd.s32 $0xFFFFFEF7, lr;
	s5 =	simm.s32 $0xFFFFFFFF;
	p2 =	slt.u32 s8, $0xFFFFF086  }
0x1c: {  	p1 =	slt.u32 s9, $0xF7A;
	s5 =	simm.s32 @!p2 $0x0  }
0x1d: {  	s5 =	simm.s32 @p1 $0x1;
	p0 =	seq.s32 s7, s2  }
0x1e: {  	s7 =	smul.u32 @!p0 $0xF7A, s2;
	p2 =	seq.s32 @!p0 s5, $0x0  }
0x1f: {  	s9 =	smul.u32 $0xF7A, s1;
	s8 =	simm.s32 @!p0 $0x1BF5;
	p2 =	por !p2, p0  }
0x20: {  	[sflag:s8] =	ssyncset.s32 @!p0 $0xFFFFF086;
	s6 =	sadd.s32 @!p0 s3, s7;
	s7 =	simm.s32 @!p0 $0x108  }
0x21: {  	s3 =	sadd.s32 s3, s9;
	s6 =	sadd.s32 @!p0 $0x88, s6;
	s7 =	simm.s32 @p2 $0x1082  }
0x22: {  	[simem:s7], [sflag:s8] =	dma.local @!p0 [hbm:s6], $0xF7A  }
0x23: {  	s9 =	sor.u32 $0xD0000000, s2;
	s6 =	simm.s32 $0x108;
	_ =	swait.ge @!p0 [sflag:s8], $0x0  }
0x24: {  	s3 =	sadd.s32 $0x88, s3;
	s6 =	simm.s32 @!p1 $0x1082;
	[sflag:s4] =	ssyncset.s32 $0xFFFFF086  }
0x25: {  	[simem:s6], [sflag:s4] =	dma.local [hbm:s3], $0xF7A  }
0x26: {  	[smem:$0x3F99] =	sst s1;
	(tag) =	ssettag s2;
	_ =	strace s9  }
0x27: {  	s1 =	sld [smem:$0x3FA9]  }
0x28: {  	s2 =	sld [smem:$0x3FAA]  }
0x29: {  	s4 =	sld [smem:$0x3FAC]  }
0x2a: {  	p0 =	seq.s32 s5, $0x0;
	s5 =	sld [smem:$0x3FAD]  }
0x2b: {  	s6 =	sld [smem:$0x3FAE]  }
0x2c: {  	s7 =	sld [smem:$0x3FAF]  }
0x2d: {  	s3 =	simm.s32 $0x108;
	s8 =	sld [smem:$0x3FB0]  }
0x2e: {  	s3 =	simm.s32 @!p0 $0x1082;
	s9 =	sld [smem:$0x3FB1]  }
0x2f: {  	lr =	sadd.s32 s0, s3;
	s0 =	sld [smem:$0x3FA8]  }
0x30: {  	s3 =	sld [smem:$0x3FAB]  }
0x31: {  	[smem:$0x3FB4] =	sst s10  }
0x32: {  	s10 =	sld [smem:$0x3FB2];
	_ =	sdelay $0x3  }
0x33: {  	p0 =	seq.s32 s10, $0x1;
	s10 =	sld [smem:$0x3FB4];
	_ =	sdelay $0x3  }
0x34: {  	[smem:$0x3FB4] =	sst s10  }
0x35: {  	s10 =	sld [smem:$0x3FB3];
	_ =	sdelay $0x3  }
0x36: {  	p1 =	seq.s32 s10, $0x1;
	s10 =	sld [smem:$0x3FB4];
	_ =	sdelay $0x3  }
0x37: {  	[smem:$0x3FB4] =	sst s10  }
0x38: {  	s10 =	sld [smem:$0x3FB5]  }
0x39: {  	_ = 	snop;
	(pc) =	sbr.ind lr, $3  }
0x3a: {  	_ = 	snop  }
0x3b: {  	_ = 	snop  }
0x3c: {  	p2 =	seq.s32 s10, $0x1;
	s10 =	sld [smem:$0x3FB4]  }
0x3d: {  	_ =	shalt  }
0x3e: {  	_ =	shalt  }
0x3f: {  	_ =	shalt  }
0x40: {  	_ =	shalt  }
0x41: {  	_ =	shalt  }
0x42: {  	_ =	shalt  }
0x43: {  	_ =	shalt  }
0x44: {  	_ =	shalt  }
0x45: {  	_ =	shalt  }
0x46: {  	_ =	shalt  }
0x47: {  	_ =	shalt  }
0x48: {  	_ =	shalt  }
0x49: {  	_ =	shalt  }
0x4a: {  	_ =	shalt  }
0x4b: {  	_ =	shalt  }
0x4c: {  	_ =	shalt  }
0x4d: {  	_ =	shalt  }
0x4e: {  	_ =	shalt  }
0x4f: {  	_ =	shalt  }
0x50: {  	_ =	shalt  }
0x51: {  	_ =	shalt  }
0x52: {  	_ =	shalt  }
0x53: {  	_ =	shalt  }
0x54: {  	_ =	shalt  }
0x55: {  	_ =	shalt  }
0x56: {  	_ =	shalt  }
0x57: {  	_ =	shalt  }
0x58: {  	_ =	shalt  }
0x59: {  	_ =	shalt  }
0x5a: {  	_ =	shalt  }
0x5b: {  	_ =	shalt  }
0x5c: {  	_ =	shalt  }
0x5d: {  	_ =	shalt  }
0x5e: {  	_ =	shalt  }
0x5f: {  	_ =	shalt  }
0x60: {  	_ =	shalt  }
0x61: {  	_ =	shalt  }
0x62: {  	_ =	shalt  }
0x63: {  	_ =	shalt  }
0x64: {  	_ =	shalt  }
0x65: {  	_ =	shalt  }
0x66: {  	_ =	shalt  }
0x67: {  	_ =	shalt  }
0x68: {  	_ =	shalt  }
0x69: {  	_ =	shalt  }
0x6a: {  	_ =	shalt  }
0x6b: {  	_ =	shalt  }
0x6c: {  	_ =	shalt  }
0x6d: {  	_ =	shalt  }
0x6e: {  	_ =	shalt  }
0x6f: {  	_ =	shalt  }
0x70: {  	_ =	shalt  }
0x71: {  	_ =	shalt  }
0x72: {  	_ =	shalt  }
0x73: {  	_ =	shalt  }
0x74: {  	_ =	shalt  }
0x75: {  	_ =	shalt  }
0x76: {  	_ =	shalt  }
0x77: {  	_ =	shalt  }
0x78: {  	_ =	shalt  }
0x79: {  	_ =	shalt  }
0x7a: {  	_ =	shalt  }
0x7b: {  	_ =	shalt  }
0x7c: {  	_ =	shalt  }
0x7d: {  	_ =	shalt  }
0x7e: {  	_ =	shalt  }
0x7f: {  	_ =	shalt  }
0x80: {  	_ =	shalt  }
0x81: {  	_ =	shalt  }
0x82: {  	_ =	shalt  }
0x83: {  	_ =	shalt  }
0x84: {  	_ =	shalt  }
0x85: {  	_ =	shalt  }
0x86: {  	_ =	shalt  }
0x87: {  	_ =	shalt  }
.Lfunc_end0:
.L_simem_size_0:
called_computation_lowered:
.L_overlay_start_0:
0x88: {  	s2 =	sld [smem:$0x3FD9]  }
0x89: {  	s3 =	sld [smem:$0x3FFE];
	_ =	sdelay $0x1  }
0x8a: {  	s1 =	srdreg.scid  }
0x8b: {  	s0 =	sand.u32 $0x1, s1  }
0x8c: {  	s16 =	sshll.u32 s0, $0xA;
	s2 =	sadd.s32 s3, s2  }
0x8d: {  	s2 =	sadd.s32 s2, s16  }
0x8e: {  	[smem:$0x3FC0] =	sst s2  }
0x8f: {  	_ = 	snop  }
0x90: {  	(tm) =	ssettm $0x1  }
0x91: {  	s17 =	sld [smem:$0x3FFB];
	_ =	sdelay $0x3  }
0x92: {  	_ =	strace s17  }
0x93: {  	s2 =	sld [smem:$0x3FFC];
	_ =	sdelay $0x3  }
0x94: {  	_ =	strace s2  }
0x95: {  	s2 =	sld [smem:$0x3FFD];
	_ =	sdelay $0x3  }
0x96: {  	_ =	strace s2  }
0x97: {  	_ =	strace $0x8FFFFFFF  }
0x98: {  	s18 =	sld [smem:$0x3FDB];
	_ =	sdelay $0x1  }
0x99: {  	s19 =	simm.s32 $_scs_section_size  }
0x9a: {  	s4 =	simm.s32 $_size__tile_overlayer_lowered;
	s5 =	simm.s32 $_tile_overlayer_lowered  }
0x9b: {  	s22 =	simm.s32 $0x1BFF;
	s21 =	sshll.u32 s5, $0x1;
	s2 =	sadd.s32 s19, s18  }
0x9c: {  	s6 =	simm.s32 $0x0;
	s20 =	sshll.u32 s4, $0x1;
	s4 =	sadd.s32 s21, s2  }
0x9d: {  	[timem:s6], [sflag:s22] =	dma.local [hbm:s4], s20  }
0x9e: {  	_ =	swait.ge [sflag:s22], s20  }
0x9f: {  	s3 =	ssub.s32 $0x0, s20;
	[sflag:s22] =	ssyncset.done $0x0  }
0xa0: {  	[sflag:s22] =	ssyncadd.s32 s3;
	_ =	sdelay $0x1  }
0xa1: {  	s23 =	simm.s32 $0x1B8B  }
0xa2: {  	_ =	swait.ge [sflag:s23], $0x1  }
0xa3: {  	[sflag:s23] =	ssyncset.done $0x0  }
0xa4: {  	s25 =	simm.s32 $0x1B8E;
	s24 =	sld [smem:$0x3FFE];
	[sflag:s23] =	ssyncadd.s32 $0xFFFFFFFF  }
0xa5: {  	s26 =	simm.s32 $execute0_lowered;
	[smem:$0x3FD2] =	sst s25  }
0xa6: {  	s4 =	sshll.u32 s26, $0x1;
	_ =	strace $0x80000046;
	[dreg:$0x1] =	wrdreg $0xFFFFFFFF  }
0xa7: {  	s28 =	simm.s32 $_size_execute0_lowered;
	s2 =	sadd.s32 s2, s4;
	[dreg:$0x0] =	wrdreg $0x0  }
0xa8: {  	s4 =	sshll.u32 s28, $0x1;
	[dreg:$0x2] =	wrdreg s2  }
0xa9: {  	[dreg:$0x3] =	wrdreg s4  }
0xaa: {  	[dreg:$0x4] =	wrdreg $0xC0  }
0xab: {  	_ =	task [dreg:s6], $0x5FFFF  }
0xac: {  	[dreg:$0x1] =	wrdreg $0xFFFFFFFF  }
0xad: {  	[dreg:$0x0] =	wrdreg $0x60  }
0xae: {  	[dreg:$0x2] =	wrdreg s24  }
0xaf: {  	[dreg:$0x3] =	wrdreg $0x8F000  }
0xb0: {  	[dreg:$0x4] =	wrdreg $0x9  }
0xb1: {  	_ =	task.clear_ibuf [dreg:s6], $0x5FFFF;
	_ =	strace $0x90000046  }
0xb2: {  	s29 =	simm.s32 $0x9;
	_ =	strace $0x80000048  }
0xb3: {  	_ =	swait.ge [sflag:s29], $0x1  }
0xb4: {  	[sflag:s29] =	ssyncadd.s32 $0xFFFFFFFF  }
0xb5: {  	_ =	strace $0x90000048  }
0xb6: {  	_ =	sfence  }
0xb7: {  	s30 =	sld [smem:$0x0];
	_ =	sdelay $0x2  }
0xb8: {  	s31 =	sshll.u32 s1, $0xD;
	s1 =	sshrl.u32 s1, $0x2  }
0xb9: {  	s3 =	sand.u32 $0x4000, s31;
	s1 =	sadd.s32 s1, s30  }
0xba: {  	s0 =	sor.u32 s3, s0;
	s1 =	sshll.u32 s1, $0x11  }
0xbb: {  	s0 =	sor.u32 s1, s0  }
0xbc: {  	s0 =	sadd.s32 $0x8F2B, s0  }
0xbd: {  	[sflag:s0] =	ssyncadd.remote.s32 $0x1  }
0xbe: {  	_ =	sfence.sel $0xFFFF  }
0xbf: {  	[dreg:$0x0] =	wrdreg $0xFFFFFFFF;
	(pc) =	sbr.abs _section_cstart, $3  }
0xc0: {  	[dreg:$0x1] =	wrdreg $0xFFFFFFFF  }
0xc1: {  	_ =	task.clear_ibuf [dreg:s6], $0x2FFFF;
	_ =	strace $0x9FFFFFFF  }
0xc2: {  	(tm) =	ssettm $0x7FFFFFFF  }
0xc3: {  	_ =	shalt  }
tec
execute0_lowered:
.L_overlay_start_1:
0x0: {  	(tag) =	ssettag $0x1  }
0x1: {  	s6 =	rddreg [dreg:$0x0]  }
0x2: {  	s2 =	rddreg [dreg:$0x1]  }
0x3: {  	s0 =	rddreg [dreg:$0x2]  }
0x4: {  	s4 =	srdreg.scid;
	s1 =	stileid.u32;
	s3 =	simm.s32 $0x0  }
0x5: {  	s12 =	simm.s32 $0x4000;
	s13 =	simm.s32 $0x80;
	s8 =	smul.u32 $0xF00, s1  }
0x6: {  	s7 =	sand.u32 $0x1, s4;
	[smem:$0x7FF] =	sst s3;
	s11 =	smul.u32 $0x780, s1  }
0x7: {  	s4 =	sadd.s32 $0x6E1000, s6;
	s14 =	sshll.u32 s1, $0x6;
	s5 =	smul.u32 $0xF000, s7  }
0x8: {  	_ =	strace $0x80000047;
	s9 =	smul.u32 $0x7800, s7;
	s7 =	ssub.s32 $0x2, s7  }
0x9: {  	s14 =	sor.u32 $0x1C01, s14;
	s30 =	sshrl.u32 s7, $0x1;
	s10 =	sadd.s32 s8, s5  }
0xa: {  	s5 =	sadd.s32 $0x5F1000, s6;
	s9 =	sadd.s32 s11, s9;
	s31 =	ssub.s32 s7, s30  }
0xb: {  	s11 =	simm.s32 $0x1;
	s10 =	sshrl.u32 s10, $0x3;
	s7 =	sshll.u32 s9, $0x4  }
0xc: {  	s9 =	smax.u32 s31, $0x1;
	s10 =	sadd.s32 s10, s6;
	s6 =	sadd.s32 s8, s2  }
0xd: {  	v0 =	vimm.f32 $0.0e+00;
	s8 =	sadd.s32 $0x1000, s10;
	s10 =	simm.s32 $0x8000;
	s15 =	sshrl.u32 s6, $0x3  }
.LBB2_1:
0xe: {  	s16 =	simm.s32 $0x40;
	s17 =	simm.s32 $0x0  }
.LBB2_2:
0xf: {  	p0 =	sne.s32 s16, $0x3BC0;
	[tilespmem:s17+$0x8000] =	vst v0;
	s17 =	smov.u32 s16;
	s16 =	sadd.s32 $0x40, s16  }
.Ltmp0:
0x10: {  	(pc) =	sbr.rel @p0 .LBB2_2-.Ltmp0, $2  }
0x11: {  	_ =	sdelay $0x2  }
0x12: {  	s17 =	sshra.s32 s17, $0x2  }
0x13: {  	[tilespmem:s17+$0x8000] =	vst v0  }
0x14: {  	[spmem:s6] =	stream.linear.scatter [tilespmem:s10], [sflag:$0x1], $0xF00, $0x38;
	[tilespmem:$0x9E00] =	vst v63  }
0x15: {  	_ =	swait.ge [sflag:s11], $0xF00  }
0x16: {  	[sflag:s11] =	ssyncset.done $0x0  }
0x17: {  	[sflag:s11] =	ssyncadd.s32 $0xFFFFF100  }
0x18: {  	s16 =	simm.s32 $0x0;
	s17 =	simm.s32 $0x0;
	[bflag:$0x0] =	sbarrier.arrive $0xFFFF  }
.LBB2_4:
0x19: {  	s18 =	sshll.u32 s17, $0xB  }
0x1a: {  	s18 =	sadd.s32 s7, s18  }
0x1b: {  	s19 =	sadd.s32 s4, s18  }
0x1c: {  	[tilespmem:s16], [sflag:$0x1] =	stream.linear.gather [hbm4b:s19+s16], $0x4000, $0x38;
	[tilespmem:$0x9E00] =	vst v63  }
0x1d: {  	_ =	swait.ge [sflag:s11], $0x4000  }
0x1e: {  	[sflag:s11] =	ssyncset.done $0x0  }
0x1f: {  	s18 =	sadd.s32 s5, s18;
	[sflag:s11] =	ssyncadd.s32 $0xFFFFC000  }
0x20: {  	[tilespmem:s12], [sflag:$0x1] =	stream.linear.gather [hbm4b:s18+s16], $0x4000, $0x38;
	[tilespmem:$0x9E00] =	vst v63  }
0x21: {  	_ =	swait.ge [sflag:s11], $0x4000  }
0x22: {  	[sflag:s11] =	ssyncset.done $0x0  }
0x23: {  	s30 =	simm.s32 $0x0;
	s31 =	simm.s32 $0x4000;
	[sflag:s11] =	ssyncadd.s32 $0xFFFFC000  }
0x24: {  	[spmem:s2] =	stream.indirect.scatter.add.f32 [tilespmem:s31], [sflag:$0x1], $0x1, s30, s13, $0xb8;
	[tilespmem:$0x9E00] =	vst v63  }
0x25: {  	s18 =	simm.s32 $0x200;
	_ =	swait.ge [sflag:s11], $0x80  }
.LBB2_5:
0x26: {  	s19 =	sshra.s32 s18, $0x2;
	[sflag:s11] =	ssyncset.done $0x0;
	p0 =	sne.s32 s18, $0xFE00  }
.Ltmp1:
0x27: {  	s20 =	sadd.s32 $0x4000, s19;
	[sflag:s11] =	ssyncadd.s32 $0xFFFFFF80;
	(pc) =	sbr.rel @p0 .LBB2_5-.Ltmp1, $3  }
0x28: {  	[spmem:s2] =	stream.indirect.scatter.add.f32 [tilespmem:s20], [sflag:$0x1], $0x1, s19, s13, $0xb8;
	[tilespmem:$0x9E00] =	vst v63  }
0x29: {  	s18 =	sadd.s32 $0x200, s18;
	_ =	sdelay $0x1  }
0x2a: {  	_ =	swait.ge [sflag:s11], $0x80  }
0x2b: {  	s17 =	sadd.s32 $0x1, s17  }
0x2c: {  	p0 =	sne.s32 s17, $0xF  }
.Ltmp2:
0x2d: {  	_ = 	snop;
	(pc) =	sbr.rel @p0 .LBB2_4-.Ltmp2, $3  }
0x2e: {  	_ =	sdelay $0x1  }
0x2f: {  	[sflag:s11] =	ssyncset.done $0x0  }
0x30: {  	[sflag:s11] =	ssyncadd.s32 $0xFFFFFF80  }
0x31: {  	s3 =	sadd.s32 $0x1, s3  }
0x32: {  	p0 =	sne.s32 s3, s9  }
.Ltmp3:
0x33: {  	[bflag:$0x0] =	sbarrier.arrive $0xFFFF;
	(pc) =	sbr.rel @p0 .LBB2_1-.Ltmp3, $4  }
0x34: {  	[hbm:s8], [sflag:s14] =	dma.local [spmem:s15], $0x1E0  }
0x35: {  	_ =	swait.ge [sflag:s11], $0x1E0  }
0x36: {  	[sflag:s11] =	ssyncset.done $0x0  }
0x37: {  	[sflag:s11] =	ssyncadd.s32 $0xFFFFFE20  }
0x38: {  	_ =	sfence.sel $0x180000  }
0x39: {  	[bflag:$0x0] =	sbarrier.arrive $0xFFFF  }
0x3a: {  	p0 =	sne.s32 s1, $0x0;
	_ =	strace $0x90000047  }
0x3b: {  	s0 =	sadd.s32 @!p0 $0x100000, s0;
	[bflag:$0x2] =	sbarrier.arrive $0xFFFF  }
0x3c: {  	[sflag:s0] =	ssyncadd.tile.s32 @!p0 $0x1;
	_ =	shalt  }
.Lfunc_end2:
_tile_overlayer_lowered:
.L_overlay_start_2:
0x3d: {  	(tag) =	ssettag $0x2  }
0x3e: {  	s0 =	rddreg [dreg:$0x0];
	s2 =	stileid.u32  }
0x3f: {  	s1 =	rddreg [dreg:$0x1];
	p0 =	sne.s32 s2, $0x0  }
0x40: {  	s3 =	rddreg [dreg:$0x2];
	[bflag:$0x3] =	sbarrier.arrive $0xFFFF;
	s2 =	simm.s32 @!p0 $0x1C01  }
0x41: {  	[timem:s3], [sflag:s2] =	dma.local @!p0 [hbm:s0], s1  }
0x42: {  	s0 =	simm.s32 @!p0 $0x1  }
0x43: {  	_ =	swait.ge @!p0 [sflag:s0], s1  }
0x44: {  	s1 =	ssub.s32 @!p0 $0x0, s1;
	[sflag:s0] =	ssyncset.done @!p0 $0x0  }
0x45: {  	[sflag:s0] =	ssyncadd.s32 @!p0 s1  }
0x46: {  	[bflag:$0x3] =	sbarrier.arrive $0xFFFF  }
0x47: {  	_ =	shalt  }

</sc_bundles>
